<compile_context>
chip_gen: v7x
topology: tpu7x:2x2x1
jax: 0.10.2.dev20260603
libtpu: 0.0.44.dev20260713+nightly
codegen_flags: <defaults>
</compile_context>

<pallas_src>
import functools

import jax
import jax.numpy as jnp
from jax import lax
from jax.experimental import pallas as pl
from jax.experimental.pallas import tpu as pltpu
from jax.experimental.pallas import tpu_sc as plsc

NUM_CORES = 2
NUM_SUBCORES = 16


def _make_sc_aggregate(n, npad, d, e):
    nw = NUM_CORES * NUM_SUBCORES
    epw = e // nw
    k = 80
    nch = epw // k
    rpt = npad // NUM_SUBCORES
    mesh = plsc.VectorSubcoreMesh(
        core_axis_name="c", subcore_axis_name="s",
        num_cores=NUM_CORES, num_subcores=NUM_SUBCORES)

    @functools.partial(
        pl.kernel,
        mesh=mesh,
        out_type=jax.ShapeDtypeStruct((NUM_CORES * npad, d), jnp.float32),
        scratch_types=[
            pltpu.VMEM((2, k), jnp.int32),
            pltpu.VMEM((2, k), jnp.int32),
            pltpu.VMEM((k, d), jnp.float32),
            pltpu.VMEM((k, d), jnp.float32),
            pltpu.VMEM_SHARED((npad, d), jnp.float32),
            pltpu.SemaphoreType.DMA,
            pltpu.SemaphoreType.DMA,
            pltpu.SemaphoreType.DMA,
            pltpu.SemaphoreType.DMA,
        ],
    )
    def sc_agg(h_hbm, src_hbm, dst_hbm, z2_hbm,
               sum_hbm,
               src_v, dst_v, rows_a, rows_b, acc_sp,
               sem_ia, sem_ib, sem_ga, sem_gb):
        cid = lax.axis_index("c")
        sid = lax.axis_index("s")
        wid = sid * NUM_CORES + cid

        pltpu.sync_copy(z2_hbm.at[pl.ds(sid * rpt, rpt)],
                        acc_sp.at[pl.ds(sid * rpt, rpt)])
        plsc.subcore_barrier()

        ebase = wid * epw

        def fire_idx(c, buf, sem):
            base = ebase + c * k
            d1 = pltpu.async_copy(src_hbm.at[pl.ds(base, k)],
                                  src_v.at[buf], sem)
            d2 = pltpu.async_copy(dst_hbm.at[pl.ds(base, k)],
                                  dst_v.at[buf], sem)
            return d1, d2

        def wait_idx(descs):
            descs[0].wait()
            descs[1].wait()

        def fire_gather(buf, rows, sem):
            return pltpu.async_copy(h_hbm.at[src_v.at[buf]], rows, sem)

        def scatter(buf, rows):
            pltpu.sync_copy(rows, acc_sp.at[dst_v.at[buf]], add=True)

        wait_idx(fire_idx(0, 0, sem_ia))
        fire_gather(0, rows_a, sem_ga)
        fire_idx(1, 1, sem_ib)

        def pipeline_body(j, carry):
            c = 2 * j
            pltpu.make_async_copy(src_hbm.at[pl.ds(0, k)],
                                  src_v.at[1], sem_ib).wait()
            pltpu.make_async_copy(dst_hbm.at[pl.ds(0, k)],
                                  dst_v.at[1], sem_ib).wait()
            gb = fire_gather(1, rows_b, sem_gb)
            pltpu.make_async_copy(h_hbm.at[src_v.at[0]],
                                  rows_a, sem_ga).wait()
            scatter(0, rows_a)
            wait_idx(fire_idx(c + 2, 0, sem_ia))
            fire_gather(0, rows_a, sem_ga)
            gb.wait()
            scatter(1, rows_b)
            fire_idx(c + 3, 1, sem_ib)
            return carry

        lax.fori_loop(0, (nch - 3) // 2, pipeline_body, 0)

        pltpu.make_async_copy(src_hbm.at[pl.ds(0, k)],
                              src_v.at[1], sem_ib).wait()
        pltpu.make_async_copy(dst_hbm.at[pl.ds(0, k)],
                              dst_v.at[1], sem_ib).wait()
        gb = fire_gather(1, rows_b, sem_gb)
        pltpu.make_async_copy(h_hbm.at[src_v.at[0]], rows_a, sem_ga).wait()
        scatter(0, rows_a)
        wait_idx(fire_idx(nch - 1, 0, sem_ia))
        ga = fire_gather(0, rows_a, sem_ga)
        gb.wait()
        scatter(1, rows_b)
        ga.wait()
        scatter(0, rows_a)

        plsc.subcore_barrier()

        pltpu.sync_copy(acc_sp.at[pl.ds(sid * rpt, rpt)],
                        sum_hbm.at[pl.ds(cid * npad + sid * rpt, rpt)])

    return sc_agg


def _deg_body(d_ref, o_ref):
    dst = d_ref[...]
    lanes = lax.broadcasted_iota(jnp.int32, (1, 128), 1)
    oh_lo = (lax.rem(dst, 128) == lanes).astype(jnp.float32)
    oh_hi = (lax.div(dst, 128) == lanes).astype(jnp.float32)
    c_blk = lax.dot_general(oh_lo, oh_hi, (((0,), (0,)), ((), ())),
                            preferred_element_type=jnp.float32)

    @pl.when(pl.program_id(0) == 0)
    def _():
        o_ref[...] = jnp.zeros_like(o_ref)

    o_ref[...] += c_blk


def _tc_degrees(dst, e):
    eb = 2560
    return pl.pallas_call(
        _deg_body,
        grid=(e // eb,),
        in_specs=[pl.BlockSpec((eb, 1), lambda i: (i, 0))],
        out_specs=pl.BlockSpec((128, 128), lambda i: (0, 0)),
        out_shape=jax.ShapeDtypeStruct((128, 128), jnp.float32),
    )(dst[:, None])


def _tc_body(h_ref, p0_ref, p1_ref, d_ref, wt_ref, b_ref, o_ref):
    d = h_ref.shape[1]
    deg = jnp.maximum(d_ref[...], 1.0)
    h_n = (p0_ref[...] + p1_ref[...]) / deg
    wt = wt_ref[...]
    o_ref[...] = (
        jnp.dot(h_ref[...], wt[:d], preferred_element_type=jnp.float32)
        + jnp.dot(h_n, wt[d:], preferred_element_type=jnp.float32)
        + b_ref[...])


def _tc_linear(h, p0, p1, deg, wt, b2):
    n, d = h.shape
    out = wt.shape[1]
    blk = 1000
    return pl.pallas_call(
        _tc_body,
        grid=(n // blk,),
        in_specs=[
            pl.BlockSpec((blk, d), lambda i: (i, 0)),
            pl.BlockSpec((blk, d), lambda i: (i, 0)),
            pl.BlockSpec((blk, d), lambda i: (i, 0)),
            pl.BlockSpec((blk, 1), lambda i: (i, 0)),
            pl.BlockSpec((2 * d, out), lambda i: (0, 0)),
            pl.BlockSpec((1, out), lambda i: (0, 0)),
        ],
        out_specs=pl.BlockSpec((blk, out), lambda i: (i, 0)),
        out_shape=jax.ShapeDtypeStruct((n, out), jnp.float32),
    )(h, p0, p1, deg, wt, b2)


def kernel(h, edge_index, W, b):
    n, d = h.shape
    e = edge_index.shape[1]
    npad = ((n + 127) // 128) * 128
    src = edge_index[0]
    dst = edge_index[1]
    z2 = jnp.zeros((npad, d), jnp.float32)
    sums = _make_sc_aggregate(n, npad, d, e)(h, src, dst, z2)
    c_mat = _tc_degrees(dst, e)
    deg = c_mat.T.reshape(-1)[:n]
    wt = W.T
    return _tc_linear(h, sums[:n], sums[npad:npad + n], deg[:, None],
                      wt, b[None, :])

# --- scband reference (transcript-rebuilt; emitter-appended) ---
"""Pipeline reference for scband-custom-graph-sage-72232759984603 (READ-ONLY COPY).

The authoritative reference and input builder live on the scoring server;
editing this copy changes nothing except your own understanding.
"""

import jax, jax.numpy as jnp
import numpy as np

N = 10000
E = 320000
D = 128
OUT = 128


def setup_inputs(seed: int = 0) -> dict:
    key = jax.random.key(seed)
    k1, k2, k3, k4 = jax.random.split(key, 4)
    h = jax.random.normal(k1, (N, D), dtype=jnp.float32)
    edge_index = jax.random.randint(k2, (2, E), 0, N, dtype=jnp.int32)
    # Linear(in_features=2*D, out_features=OUT): W [OUT, 2*D], b [OUT]
    bound = 1.0 / np.sqrt(2 * D)
    W = jax.random.uniform(k3, (OUT, 2 * D), dtype=jnp.float32, minval=-bound, maxval=bound)
    b = jax.random.uniform(k4, (OUT,), dtype=jnp.float32, minval=-bound, maxval=bound)
    return {"h": h, "edge_index": edge_index, "W": W, "b": b}


def reference(h, edge_index, W, b):
    # DGL update_all(copy_u('h','m'), mean('m','h_N')):
    # each edge (src, dst) sends h[src] to dst; dst averages incoming messages.
    src = edge_index[0]
    dst = edge_index[1]
    msgs = jnp.take(h, src, axis=0)                      # gather: [E, D]
    summed = jax.ops.segment_sum(msgs, dst, num_segments=N)   # scatter-add: [N, D]
    deg = jax.ops.segment_sum(jnp.ones((E,), dtype=h.dtype), dst, num_segments=N)
    # nodes with zero in-degree get h_N = 0 (matches DGL mean reduce default of 0)
    h_N = summed / jnp.maximum(deg, 1.0)[:, None]
    h_total = jnp.concatenate([h, h_N], axis=1)          # [N, 2*D]
    return h_total @ W.T + b                             # [N, OUT]

if __name__ == "__main__":
    import jax
    _d = setup_inputs()
    print(jax.jit(kernel)(*tuple(_d.values())))

</pallas_src>

<mosaic_0001>
#map = affine_map<(d0, d1) -> (0, 0)>
#map1 = affine_map<(d0, d1) -> (0)>
module attributes {stable_mosaic.version = 14 : i64} {
  func.func @sc_agg(%arg0: i32, %arg1: i32, %arg2: memref<10000x128xf32, #tpu.memory_space<hbm>>, %arg3: memref<320000xi32, #tpu.memory_space<hbm>>, %arg4: memref<320000xi32, #tpu.memory_space<hbm>>, %arg5: memref<10112x128xf32, #tpu.memory_space<hbm>>, %arg6: memref<20224x128xf32, #tpu.memory_space<hbm>>, %arg7: memref<2x80xi32, #tpu.memory_space<vmem>>, %arg8: memref<2x80xi32, #tpu.memory_space<vmem>>, %arg9: memref<80x128xf32, #tpu.memory_space<vmem>>, %arg10: memref<80x128xf32, #tpu.memory_space<vmem>>, %arg11: memref<10112x128xf32, #tpu.memory_space<vmem_shared>>, %arg12: memref<!tpu.dma_semaphore, #tpu.memory_space<semaphore_mem>>, %arg13: memref<!tpu.dma_semaphore, #tpu.memory_space<semaphore_mem>>, %arg14: memref<!tpu.dma_semaphore, #tpu.memory_space<semaphore_mem>>, %arg15: memref<!tpu.dma_semaphore, #tpu.memory_space<semaphore_mem>>) attributes {dimension_semantics = [#tpu.dimension_semantics<core_parallel>, #tpu.dimension_semantics<subcore_parallel>], iteration_bounds = array<i64: 2, 16>, scalar_prefetch = 0 : i64, scratch_operands = 9 : i64, tpu.core_type = #tpu.core_type<sc_vector_subcore>, window_params = [{transform_indices = #map}, {transform_indices = #map1}, {transform_indices = #map1}, {transform_indices = #map}, {transform_indices = #map}]} {
    %mul3A = arith.constant 2 : i32
    %mul3A_0 = arith.muli %arg1, %mul3A : i32
    %add3A = arith.addi %mul3A_0, %arg0 : i32
    %mul3A_1 = arith.constant 632 : i32
    %mul3A_2 = arith.muli %arg1, %mul3A_1 : i32
    %mul3A_3 = arith.constant 632 : i32
    %mul3A_4 = arith.muli %arg1, %mul3A_3 : i32
    "tpu.region"() ({
      %run_scoped3A_180 = tpu.sem_alloc : memref<!tpu.dma_semaphore, #tpu.memory_space<semaphore_mem>>
      %dma_start3A_181 = arith.constant 0 : i32
      %dma_start3A_182 = tpu.memref_slice %arg11[%mul3A_4, %dma_start3A_181] : memref<10112x128xf32, #tpu.memory_space<vmem_shared>> -> memref<632x128xf32, #tpu.memory_space<vmem_shared>>
      %dma_start3A_183 = arith.constant 0 : i32
      %dma_start3A_184 = tpu.memref_slice %arg5[%mul3A_2, %dma_start3A_183] : memref<10112x128xf32, #tpu.memory_space<hbm>> -> memref<632x128xf32, #tpu.memory_space<hbm>>
      tpu.enqueue_dma source(%dma_start3A_184 : memref<632x128xf32, #tpu.memory_space<hbm>>) target(%dma_start3A_182 : memref<632x128xf32, #tpu.memory_space<vmem_shared>>) target_semaphore(%run_scoped3A_180 : memref<!tpu.dma_semaphore, #tpu.memory_space<semaphore_mem>>)
      %dma_wait3A_185 = arith.constant 0 : i32
      %dma_wait3A_186 = tpu.memref_slice %arg11[%mul3A_4, %dma_wait3A_185] : memref<10112x128xf32, #tpu.memory_space<vmem_shared>> -> memref<632x128xf32, #tpu.memory_space<vmem_shared>>
      %dma_wait3A_187 = arith.constant 0 : i32
      %dma_wait3A_188 = tpu.memref_slice %arg5[%mul3A_2, %dma_wait3A_187] : memref<10112x128xf32, #tpu.memory_space<hbm>> -> memref<632x128xf32, #tpu.memory_space<hbm>>
      tpu.wait_dma2 semaphore(%run_scoped3A_180 : memref<!tpu.dma_semaphore, #tpu.memory_space<semaphore_mem>>) src(%dma_wait3A_188 : memref<632x128xf32, #tpu.memory_space<hbm>>) dst(%dma_wait3A_186 : memref<632x128xf32, #tpu.memory_space<vmem_shared>>)
      tpu.yield
    }) : () -> ()
    %barrier3A = arith.constant 0 : index
    tpu.barrier barrier_id(%barrier3A)
    %mul3A_5 = arith.constant 10000 : i32
    %mul3A_6 = arith.muli %add3A, %mul3A_5 : i32
    %add3A_7 = arith.constant 0 : i32
    %add3A_8 = arith.addi %mul3A_6, %add3A_7 : i32
    %dma_start3A = arith.constant 0 : i32
    %dma_start3A_9 = arith.constant 0 : i32
    %dma_start3A_10 = tpu.memref_slice %arg7[%dma_start3A, %dma_start3A_9] : memref<2x80xi32, #tpu.memory_space<vmem>> -> memref<1x80xi32, #tpu.memory_space<vmem>>
    %dma_start3A_11 = tpu.memref_squeeze %dma_start3A_10 : memref<1x80xi32, #tpu.memory_space<vmem>> -> memref<80xi32, #tpu.memory_space<vmem>>
    %dma_start3A_12 = tpu.memref_slice %arg3[%add3A_8] : memref<320000xi32, #tpu.memory_space<hbm>> -> memref<80xi32, #tpu.memory_space<hbm>>
    %dma_start3A_13 = arith.constant 0 : i32
    %dma_start3A_14 = tpu.memref_slice %arg7[%dma_start3A, %dma_start3A_13] : memref<2x80xi32, #tpu.memory_space<vmem>> -> memref<1x80xi32, #tpu.memory_space<vmem>>
    %dma_start3A_15 = tpu.memref_squeeze %dma_start3A_14 : memref<1x80xi32, #tpu.memory_space<vmem>> -> memref<80xi32, #tpu.memory_space<vmem>>
    %dma_start3A_16 = tpu.memref_slice %arg3[%add3A_8] : memref<320000xi32, #tpu.memory_space<hbm>> -> memref<80xi32, #tpu.memory_space<hbm>>
    tpu.enqueue_dma source(%dma_start3A_16 : memref<80xi32, #tpu.memory_space<hbm>>) target(%dma_start3A_15 : memref<80xi32, #tpu.memory_space<vmem>>) target_semaphore(%arg12 : memref<!tpu.dma_semaphore, #tpu.memory_space<semaphore_mem>>)
    %dma_start3A_17 = arith.constant 0 : i32
    %dma_start3A_18 = arith.constant 0 : i32
    %dma_start3A_19 = tpu.memref_slice %arg8[%dma_start3A_17, %dma_start3A_18] : memref<2x80xi32, #tpu.memory_space<vmem>> -> memref<1x80xi32, #tpu.memory_space<vmem>>
    %dma_start3A_20 = tpu.memref_squeeze %dma_start3A_19 : memref<1x80xi32, #tpu.memory_space<vmem>> -> memref<80xi32, #tpu.memory_space<vmem>>
    %dma_start3A_21 = tpu.memref_slice %arg4[%add3A_8] : memref<320000xi32, #tpu.memory_space<hbm>> -> memref<80xi32, #tpu.memory_space<hbm>>
    %dma_start3A_22 = arith.constant 0 : i32
    %dma_start3A_23 = tpu.memref_slice %arg8[%dma_start3A_17, %dma_start3A_22] : memref<2x80xi32, #tpu.memory_space<vmem>> -> memref<1x80xi32, #tpu.memory_space<vmem>>
    %dma_start3A_24 = tpu.memref_squeeze %dma_start3A_23 : memref<1x80xi32, #tpu.memory_space<vmem>> -> memref<80xi32, #tpu.memory_space<vmem>>
    %dma_start3A_25 = tpu.memref_slice %arg4[%add3A_8] : memref<320000xi32, #tpu.memory_space<hbm>> -> memref<80xi32, #tpu.memory_space<hbm>>
    tpu.enqueue_dma source(%dma_start3A_25 : memref<80xi32, #tpu.memory_space<hbm>>) target(%dma_start3A_24 : memref<80xi32, #tpu.memory_space<vmem>>) target_semaphore(%arg12 : memref<!tpu.dma_semaphore, #tpu.memory_space<semaphore_mem>>)
    %dma_wait3A = arith.constant 0 : i32
    %dma_wait3A_26 = arith.constant 0 : i32
    %dma_wait3A_27 = tpu.memref_slice %arg7[%dma_wait3A, %dma_wait3A_26] : memref<2x80xi32, #tpu.memory_space<vmem>> -> memref<1x80xi32, #tpu.memory_space<vmem>>
    %dma_wait3A_28 = tpu.memref_squeeze %dma_wait3A_27 : memref<1x80xi32, #tpu.memory_space<vmem>> -> memref<80xi32, #tpu.memory_space<vmem>>
    %dma_wait3A_29 = tpu.memref_slice %arg3[%add3A_8] : memref<320000xi32, #tpu.memory_space<hbm>> -> memref<80xi32, #tpu.memory_space<hbm>>
    %dma_wait3A_30 = arith.constant 0 : i32
    %dma_wait3A_31 = tpu.memref_slice %arg7[%dma_wait3A, %dma_wait3A_30] : memref<2x80xi32, #tpu.memory_space<vmem>> -> memref<1x80xi32, #tpu.memory_space<vmem>>
    %dma_wait3A_32 = tpu.memref_squeeze %dma_wait3A_31 : memref<1x80xi32, #tpu.memory_space<vmem>> -> memref<80xi32, #tpu.memory_space<vmem>>
    %dma_wait3A_33 = tpu.memref_slice %arg3[%add3A_8] : memref<320000xi32, #tpu.memory_space<hbm>> -> memref<80xi32, #tpu.memory_space<hbm>>
    tpu.wait_dma2 semaphore(%arg12 : memref<!tpu.dma_semaphore, #tpu.memory_space<semaphore_mem>>) src(%dma_wait3A_33 : memref<80xi32, #tpu.memory_space<hbm>>) dst(%dma_wait3A_32 : memref<80xi32, #tpu.memory_space<vmem>>)
    %dma_wait3A_34 = arith.constant 0 : i32
    %dma_wait3A_35 = arith.constant 0 : i32
    %dma_wait3A_36 = tpu.memref_slice %arg8[%dma_wait3A_34, %dma_wait3A_35] : memref<2x80xi32, #tpu.memory_space<vmem>> -> memref<1x80xi32, #tpu.memory_space<vmem>>
    %dma_wait3A_37 = tpu.memref_squeeze %dma_wait3A_36 : memref<1x80xi32, #tpu.memory_space<vmem>> -> memref<80xi32, #tpu.memory_space<vmem>>
    %dma_wait3A_38 = tpu.memref_slice %arg4[%add3A_8] : memref<320000xi32, #tpu.memory_space<hbm>> -> memref<80xi32, #tpu.memory_space<hbm>>
    %dma_wait3A_39 = arith.constant 0 : i32
    %dma_wait3A_40 = tpu.memref_slice %arg8[%dma_wait3A_34, %dma_wait3A_39] : memref<2x80xi32, #tpu.memory_space<vmem>> -> memref<1x80xi32, #tpu.memory_space<vmem>>
    %dma_wait3A_41 = tpu.memref_squeeze %dma_wait3A_40 : memref<1x80xi32, #tpu.memory_space<vmem>> -> memref<80xi32, #tpu.memory_space<vmem>>
    %dma_wait3A_42 = tpu.memref_slice %arg4[%add3A_8] : memref<320000xi32, #tpu.memory_space<hbm>> -> memref<80xi32, #tpu.memory_space<hbm>>
    tpu.wait_dma2 semaphore(%arg12 : memref<!tpu.dma_semaphore, #tpu.memory_space<semaphore_mem>>) src(%dma_wait3A_42 : memref<80xi32, #tpu.memory_space<hbm>>) dst(%dma_wait3A_41 : memref<80xi32, #tpu.memory_space<vmem>>)
    %dma_start3A_43 = arith.constant 0 : i32
    %dma_start3A_44 = arith.constant 0 : i32
    %dma_start3A_45 = tpu.memref_slice %arg7[%dma_start3A_43, %dma_start3A_44] : memref<2x80xi32, #tpu.memory_space<vmem>> -> memref<1x80xi32, #tpu.memory_space<vmem>>
    %dma_start3A_46 = tpu.memref_squeeze %dma_start3A_45 : memref<1x80xi32, #tpu.memory_space<vmem>> -> memref<80xi32, #tpu.memory_space<vmem>>
    %dma_start3A_47 = arith.constant 0 : i32
    %dma_start3A_48 = arith.constant 0 : i32
    %dma_start3A_49 = tpu.memref_slice %arg2[%dma_start3A_47, %dma_start3A_48] : memref<10000x128xf32, #tpu.memory_space<hbm>> -> memref<10000x128xf32, #tpu.memory_space<hbm>>
    tpu.enqueue_indirect_dma source(%dma_start3A_49 : memref<10000x128xf32, #tpu.memory_space<hbm>>) target(%arg9 : memref<80x128xf32, #tpu.memory_space<vmem>>) offsets(%dma_start3A_46 : memref<80xi32, #tpu.memory_space<vmem>>) semaphore(%arg14 : memref<!tpu.dma_semaphore, #tpu.memory_space<semaphore_mem>>)
    %add3A_50 = arith.constant 80 : i32
    %add3A_51 = arith.addi %mul3A_6, %add3A_50 : i32
    %dma_start3A_52 = arith.constant 1 : i32
    %dma_start3A_53 = arith.constant 0 : i32
    %dma_start3A_54 = tpu.memref_slice %arg7[%dma_start3A_52, %dma_start3A_53] : memref<2x80xi32, #tpu.memory_space<vmem>> -> memref<1x80xi32, #tpu.memory_space<vmem>>
    %dma_start3A_55 = tpu.memref_squeeze %dma_start3A_54 : memref<1x80xi32, #tpu.memory_space<vmem>> -> memref<80xi32, #tpu.memory_space<vmem>>
    %dma_start3A_56 = tpu.memref_slice %arg3[%add3A_51] : memref<320000xi32, #tpu.memory_space<hbm>> -> memref<80xi32, #tpu.memory_space<hbm>>
    %dma_start3A_57 = arith.constant 0 : i32
    %dma_start3A_58 = tpu.memref_slice %arg7[%dma_start3A_52, %dma_start3A_57] : memref<2x80xi32, #tpu.memory_space<vmem>> -> memref<1x80xi32, #tpu.memory_space<vmem>>
    %dma_start3A_59 = tpu.memref_squeeze %dma_start3A_58 : memref<1x80xi32, #tpu.memory_space<vmem>> -> memref<80xi32, #tpu.memory_space<vmem>>
    %dma_start3A_60 = tpu.memref_slice %arg3[%add3A_51] : memref<320000xi32, #tpu.memory_space<hbm>> -> memref<80xi32, #tpu.memory_space<hbm>>
    tpu.enqueue_dma source(%dma_start3A_60 : memref<80xi32, #tpu.memory_space<hbm>>) target(%dma_start3A_59 : memref<80xi32, #tpu.memory_space<vmem>>) target_semaphore(%arg13 : memref<!tpu.dma_semaphore, #tpu.memory_space<semaphore_mem>>)
    %dma_start3A_61 = arith.constant 1 : i32
    %dma_start3A_62 = arith.constant 0 : i32
    %dma_start3A_63 = tpu.memref_slice %arg8[%dma_start3A_61, %dma_start3A_62] : memref<2x80xi32, #tpu.memory_space<vmem>> -> memref<1x80xi32, #tpu.memory_space<vmem>>
    %dma_start3A_64 = tpu.memref_squeeze %dma_start3A_63 : memref<1x80xi32, #tpu.memory_space<vmem>> -> memref<80xi32, #tpu.memory_space<vmem>>
    %dma_start3A_65 = tpu.memref_slice %arg4[%add3A_51] : memref<320000xi32, #tpu.memory_space<hbm>> -> memref<80xi32, #tpu.memory_space<hbm>>
    %dma_start3A_66 = arith.constant 0 : i32
    %dma_start3A_67 = tpu.memref_slice %arg8[%dma_start3A_61, %dma_start3A_66] : memref<2x80xi32, #tpu.memory_space<vmem>> -> memref<1x80xi32, #tpu.memory_space<vmem>>
    %dma_start3A_68 = tpu.memref_squeeze %dma_start3A_67 : memref<1x80xi32, #tpu.memory_space<vmem>> -> memref<80xi32, #tpu.memory_space<vmem>>
    %dma_start3A_69 = tpu.memref_slice %arg4[%add3A_51] : memref<320000xi32, #tpu.memory_space<hbm>> -> memref<80xi32, #tpu.memory_space<hbm>>
    tpu.enqueue_dma source(%dma_start3A_69 : memref<80xi32, #tpu.memory_space<hbm>>) target(%dma_start3A_68 : memref<80xi32, #tpu.memory_space<vmem>>) target_semaphore(%arg13 : memref<!tpu.dma_semaphore, #tpu.memory_space<semaphore_mem>>)
    %scan3A = arith.constant 0 : i32
    %scan3A_70 = arith.constant 0 : i32
    %scan3A_71 = arith.constant 61 : i32
    %scan3A_72 = arith.addi %scan3A_70, %scan3A_71 : i32
    %scan3A_73 = arith.constant 1 : i32
    scf.for %scan3A_180 = %scan3A_70 to %scan3A_72 step %scan3A_73  : i32 {
      %mul3A_181 = arith.constant 2 : i32
      %mul3A_182 = arith.muli %mul3A_181, %scan3A_180 : i32
      %dma_wait3A_183 = arith.constant 1 : i32
      %dma_wait3A_184 = arith.constant 0 : i32
      %dma_wait3A_185 = tpu.memref_slice %arg7[%dma_wait3A_183, %dma_wait3A_184] : memref<2x80xi32, #tpu.memory_space<vmem>> -> memref<1x80xi32, #tpu.memory_space<vmem>>
      %dma_wait3A_186 = tpu.memref_squeeze %dma_wait3A_185 : memref<1x80xi32, #tpu.memory_space<vmem>> -> memref<80xi32, #tpu.memory_space<vmem>>
      %dma_wait3A_187 = arith.constant 0 : i32
      %dma_wait3A_188 = tpu.memref_slice %arg3[%dma_wait3A_187] : memref<320000xi32, #tpu.memory_space<hbm>> -> memref<80xi32, #tpu.memory_space<hbm>>
      %dma_wait3A_189 = arith.constant 0 : i32
      %dma_wait3A_190 = tpu.memref_slice %arg7[%dma_wait3A_183, %dma_wait3A_189] : memref<2x80xi32, #tpu.memory_space<vmem>> -> memref<1x80xi32, #tpu.memory_space<vmem>>
      %dma_wait3A_191 = tpu.memref_squeeze %dma_wait3A_190 : memref<1x80xi32, #tpu.memory_space<vmem>> -> memref<80xi32, #tpu.memory_space<vmem>>
      %dma_wait3A_192 = arith.constant 0 : i32
      %dma_wait3A_193 = tpu.memref_slice %arg3[%dma_wait3A_192] : memref<320000xi32, #tpu.memory_space<hbm>> -> memref<80xi32, #tpu.memory_space<hbm>>
      tpu.wait_dma2 semaphore(%arg13 : memref<!tpu.dma_semaphore, #tpu.memory_space<semaphore_mem>>) src(%dma_wait3A_193 : memref<80xi32, #tpu.memory_space<hbm>>) dst(%dma_wait3A_191 : memref<80xi32, #tpu.memory_space<vmem>>)
      %dma_wait3A_194 = arith.constant 1 : i32
      %dma_wait3A_195 = arith.constant 0 : i32
      %dma_wait3A_196 = tpu.memref_slice %arg8[%dma_wait3A_194, %dma_wait3A_195] : memref<2x80xi32, #tpu.memory_space<vmem>> -> memref<1x80xi32, #tpu.memory_space<vmem>>
      %dma_wait3A_197 = tpu.memref_squeeze %dma_wait3A_196 : memref<1x80xi32, #tpu.memory_space<vmem>> -> memref<80xi32, #tpu.memory_space<vmem>>
      %dma_wait3A_198 = arith.constant 0 : i32
      %dma_wait3A_199 = tpu.memref_slice %arg4[%dma_wait3A_198] : memref<320000xi32, #tpu.memory_space<hbm>> -> memref<80xi32, #tpu.memory_space<hbm>>
      %dma_wait3A_200 = arith.constant 0 : i32
      %dma_wait3A_201 = tpu.memref_slice %arg8[%dma_wait3A_194, %dma_wait3A_200] : memref<2x80xi32, #tpu.memory_space<vmem>> -> memref<1x80xi32, #tpu.memory_space<vmem>>
      %dma_wait3A_202 = tpu.memref_squeeze %dma_wait3A_201 : memref<1x80xi32, #tpu.memory_space<vmem>> -> memref<80xi32, #tpu.memory_space<vmem>>
      %dma_wait3A_203 = arith.constant 0 : i32
      %dma_wait3A_204 = tpu.memref_slice %arg4[%dma_wait3A_203] : memref<320000xi32, #tpu.memory_space<hbm>> -> memref<80xi32, #tpu.memory_space<hbm>>
      tpu.wait_dma2 semaphore(%arg13 : memref<!tpu.dma_semaphore, #tpu.memory_space<semaphore_mem>>) src(%dma_wait3A_204 : memref<80xi32, #tpu.memory_space<hbm>>) dst(%dma_wait3A_202 : memref<80xi32, #tpu.memory_space<vmem>>)
      %dma_start3A_205 = arith.constant 1 : i32
      %dma_start3A_206 = arith.constant 0 : i32
      %dma_start3A_207 = tpu.memref_slice %arg7[%dma_start3A_205, %dma_start3A_206] : memref<2x80xi32, #tpu.memory_space<vmem>> -> memref<1x80xi32, #tpu.memory_space<vmem>>
      %dma_start3A_208 = tpu.memref_squeeze %dma_start3A_207 : memref<1x80xi32, #tpu.memory_space<vmem>> -> memref<80xi32, #tpu.memory_space<vmem>>
      %dma_start3A_209 = arith.constant 0 : i32
      %dma_start3A_210 = arith.constant 0 : i32
      %dma_start3A_211 = tpu.memref_slice %arg2[%dma_start3A_209, %dma_start3A_210] : memref<10000x128xf32, #tpu.memory_space<hbm>> -> memref<10000x128xf32, #tpu.memory_space<hbm>>
      tpu.enqueue_indirect_dma source(%dma_start3A_211 : memref<10000x128xf32, #tpu.memory_space<hbm>>) target(%arg10 : memref<80x128xf32, #tpu.memory_space<vmem>>) offsets(%dma_start3A_208 : memref<80xi32, #tpu.memory_space<vmem>>) semaphore(%arg15 : memref<!tpu.dma_semaphore, #tpu.memory_space<semaphore_mem>>)
      %dma_wait3A_212 = arith.constant 0 : i32
      %dma_wait3A_213 = arith.constant 0 : i32
      %dma_wait3A_214 = tpu.memref_slice %arg7[%dma_wait3A_212, %dma_wait3A_213] : memref<2x80xi32, #tpu.memory_space<vmem>> -> memref<1x80xi32, #tpu.memory_space<vmem>>
      %dma_wait3A_215 = tpu.memref_squeeze %dma_wait3A_214 : memref<1x80xi32, #tpu.memory_space<vmem>> -> memref<80xi32, #tpu.memory_space<vmem>>
      %dma_wait3A_216 = arith.constant 0 : i32
      %dma_wait3A_217 = arith.constant 0 : i32
      %dma_wait3A_218 = tpu.memref_slice %arg2[%dma_wait3A_216, %dma_wait3A_217] : memref<10000x128xf32, #tpu.memory_space<hbm>> -> memref<10000x128xf32, #tpu.memory_space<hbm>>
      tpu.wait_indirect_dma semaphore(%arg14 : memref<!tpu.dma_semaphore, #tpu.memory_space<semaphore_mem>>) src(%dma_wait3A_218 : memref<10000x128xf32, #tpu.memory_space<hbm>>) dst(%arg9 : memref<80x128xf32, #tpu.memory_space<vmem>>)
      %run_scoped3A_219 = arith.constant 0 : i32
      "tpu.region"() ({
        %run_scoped3A_299 = tpu.sem_alloc : memref<!tpu.dma_semaphore, #tpu.memory_space<semaphore_mem>>
        %dma_start3A_300 = arith.constant 0 : i32
        %dma_start3A_301 = tpu.memref_slice %arg8[%run_scoped3A_219, %dma_start3A_300] : memref<2x80xi32, #tpu.memory_space<vmem>> -> memref<1x80xi32, #tpu.memory_space<vmem>>
        %dma_start3A_302 = tpu.memref_squeeze %dma_start3A_301 : memref<1x80xi32, #tpu.memory_space<vmem>> -> memref<80xi32, #tpu.memory_space<vmem>>
        %dma_start3A_303 = arith.constant 0 : i32
        %dma_start3A_304 = arith.constant 0 : i32
        %dma_start3A_305 = tpu.memref_slice %arg11[%dma_start3A_303, %dma_start3A_304] : memref<10112x128xf32, #tpu.memory_space<vmem_shared>> -> memref<10112x128xf32, #tpu.memory_space<vmem_shared>>
        tpu.enqueue_indirect_dma source(%arg9 : memref<80x128xf32, #tpu.memory_space<vmem>>) target(%dma_start3A_305 : memref<10112x128xf32, #tpu.memory_space<vmem_shared>>) offsets(%dma_start3A_302 : memref<80xi32, #tpu.memory_space<vmem>>) semaphore(%run_scoped3A_299 : memref<!tpu.dma_semaphore, #tpu.memory_space<semaphore_mem>>) {add = true}
        %dma_wait3A_306 = arith.constant 0 : i32
        %dma_wait3A_307 = tpu.memref_slice %arg8[%run_scoped3A_219, %dma_wait3A_306] : memref<2x80xi32, #tpu.memory_space<vmem>> -> memref<1x80xi32, #tpu.memory_space<vmem>>
        %dma_wait3A_308 = tpu.memref_squeeze %dma_wait3A_307 : memref<1x80xi32, #tpu.memory_space<vmem>> -> memref<80xi32, #tpu.memory_space<vmem>>
        %dma_wait3A_309 = arith.constant 0 : i32
        %dma_wait3A_310 = arith.constant 0 : i32
        %dma_wait3A_311 = tpu.memref_slice %arg11[%dma_wait3A_309, %dma_wait3A_310] : memref<10112x128xf32, #tpu.memory_space<vmem_shared>> -> memref<10112x128xf32, #tpu.memory_space<vmem_shared>>
        tpu.wait_indirect_dma semaphore(%run_scoped3A_299 : memref<!tpu.dma_semaphore, #tpu.memory_space<semaphore_mem>>) src(%arg9 : memref<80x128xf32, #tpu.memory_space<vmem>>) dst(%dma_wait3A_311 : memref<10112x128xf32, #tpu.memory_space<vmem_shared>>)
        tpu.yield
      }) : () -> ()
      %add3A_220 = arith.constant 2 : i32
      %add3A_221 = arith.addi %mul3A_182, %add3A_220 : i32
      %mul3A_222 = arith.constant 80 : i32
      %mul3A_223 = arith.muli %add3A_221, %mul3A_222 : i32
      %add3A_224 = arith.addi %mul3A_6, %mul3A_223 : i32
      %dma_start3A_225 = arith.constant 0 : i32
      %dma_start3A_226 = arith.constant 0 : i32
      %dma_start3A_227 = tpu.memref_slice %arg7[%dma_start3A_225, %dma_start3A_226] : memref<2x80xi32, #tpu.memory_space<vmem>> -> memref<1x80xi32, #tpu.memory_space<vmem>>
      %dma_start3A_228 = tpu.memref_squeeze %dma_start3A_227 : memref<1x80xi32, #tpu.memory_space<vmem>> -> memref<80xi32, #tpu.memory_space<vmem>>
      %dma_start3A_229 = tpu.memref_slice %arg3[%add3A_224] : memref<320000xi32, #tpu.memory_space<hbm>> -> memref<80xi32, #tpu.memory_space<hbm>>
      %dma_start3A_230 = arith.constant 0 : i32
      %dma_start3A_231 = tpu.memref_slice %arg7[%dma_start3A_225, %dma_start3A_230] : memref<2x80xi32, #tpu.memory_space<vmem>> -> memref<1x80xi32, #tpu.memory_space<vmem>>
      %dma_start3A_232 = tpu.memref_squeeze %dma_start3A_231 : memref<1x80xi32, #tpu.memory_space<vmem>> -> memref<80xi32, #tpu.memory_space<vmem>>
      %dma_start3A_233 = tpu.memref_slice %arg3[%add3A_224] : memref<320000xi32, #tpu.memory_space<hbm>> -> memref<80xi32, #tpu.memory_space<hbm>>
      tpu.enqueue_dma source(%dma_start3A_233 : memref<80xi32, #tpu.memory_space<hbm>>) target(%dma_start3A_232 : memref<80xi32, #tpu.memory_space<vmem>>) target_semaphore(%arg12 : memref<!tpu.dma_semaphore, #tpu.memory_space<semaphore_mem>>)
      %dma_start3A_234 = arith.constant 0 : i32
      %dma_start3A_235 = arith.constant 0 : i32
      %dma_start3A_236 = tpu.memref_slice %arg8[%dma_start3A_234, %dma_start3A_235] : memref<2x80xi32, #tpu.memory_space<vmem>> -> memref<1x80xi32, #tpu.memory_space<vmem>>
      %dma_start3A_237 = tpu.memref_squeeze %dma_start3A_236 : memref<1x80xi32, #tpu.memory_space<vmem>> -> memref<80xi32, #tpu.memory_space<vmem>>
      %dma_start3A_238 = tpu.memref_slice %arg4[%add3A_224] : memref<320000xi32, #tpu.memory_space<hbm>> -> memref<80xi32, #tpu.memory_space<hbm>>
      %dma_start3A_239 = arith.constant 0 : i32
      %dma_start3A_240 = tpu.memref_slice %arg8[%dma_start3A_234, %dma_start3A_239] : memref<2x80xi32, #tpu.memory_space<vmem>> -> memref<1x80xi32, #tpu.memory_space<vmem>>
      %dma_start3A_241 = tpu.memref_squeeze %dma_start3A_240 : memref<1x80xi32, #tpu.memory_space<vmem>> -> memref<80xi32, #tpu.memory_space<vmem>>
      %dma_start3A_242 = tpu.memref_slice %arg4[%add3A_224] : memref<320000xi32, #tpu.memory_space<hbm>> -> memref<80xi32, #tpu.memory_space<hbm>>
      tpu.enqueue_dma source(%dma_start3A_242 : memref<80xi32, #tpu.memory_space<hbm>>) target(%dma_start3A_241 : memref<80xi32, #tpu.memory_space<vmem>>) target_semaphore(%arg12 : memref<!tpu.dma_semaphore, #tpu.memory_space<semaphore_mem>>)
      %dma_wait3A_243 = arith.constant 0 : i32
      %dma_wait3A_244 = arith.constant 0 : i32
      %dma_wait3A_245 = tpu.memref_slice %arg7[%dma_wait3A_243, %dma_wait3A_244] : memref<2x80xi32, #tpu.memory_space<vmem>> -> memref<1x80xi32, #tpu.memory_space<vmem>>
      %dma_wait3A_246 = tpu.memref_squeeze %dma_wait3A_245 : memref<1x80xi32, #tpu.memory_space<vmem>> -> memref<80xi32, #tpu.memory_space<vmem>>
      %dma_wait3A_247 = tpu.memref_slice %arg3[%add3A_224] : memref<320000xi32, #tpu.memory_space<hbm>> -> memref<80xi32, #tpu.memory_space<hbm>>
      %dma_wait3A_248 = arith.constant 0 : i32
      %dma_wait3A_249 = tpu.memref_slice %arg7[%dma_wait3A_243, %dma_wait3A_248] : memref<2x80xi32, #tpu.memory_space<vmem>> -> memref<1x80xi32, #tpu.memory_space<vmem>>
      %dma_wait3A_250 = tpu.memref_squeeze %dma_wait3A_249 : memref<1x80xi32, #tpu.memory_space<vmem>> -> memref<80xi32, #tpu.memory_space<vmem>>
      %dma_wait3A_251 = tpu.memref_slice %arg3[%add3A_224] : memref<320000xi32, #tpu.memory_space<hbm>> -> memref<80xi32, #tpu.memory_space<hbm>>
      tpu.wait_dma2 semaphore(%arg12 : memref<!tpu.dma_semaphore, #tpu.memory_space<semaphore_mem>>) src(%dma_wait3A_251 : memref<80xi32, #tpu.memory_space<hbm>>) dst(%dma_wait3A_250 : memref<80xi32, #tpu.memory_space<vmem>>)
      %dma_wait3A_252 = arith.constant 0 : i32
      %dma_wait3A_253 = arith.constant 0 : i32
      %dma_wait3A_254 = tpu.memref_slice %arg8[%dma_wait3A_252, %dma_wait3A_253] : memref<2x80xi32, #tpu.memory_space<vmem>> -> memref<1x80xi32, #tpu.memory_space<vmem>>
      %dma_wait3A_255 = tpu.memref_squeeze %dma_wait3A_254 : memref<1x80xi32, #tpu.memory_space<vmem>> -> memref<80xi32, #tpu.memory_space<vmem>>
      %dma_wait3A_256 = tpu.memref_slice %arg4[%add3A_224] : memref<320000xi32, #tpu.memory_space<hbm>> -> memref<80xi32, #tpu.memory_space<hbm>>
      %dma_wait3A_257 = arith.constant 0 : i32
      %dma_wait3A_258 = tpu.memref_slice %arg8[%dma_wait3A_252, %dma_wait3A_257] : memref<2x80xi32, #tpu.memory_space<vmem>> -> memref<1x80xi32, #tpu.memory_space<vmem>>
      %dma_wait3A_259 = tpu.memref_squeeze %dma_wait3A_258 : memref<1x80xi32, #tpu.memory_space<vmem>> -> memref<80xi32, #tpu.memory_space<vmem>>
      %dma_wait3A_260 = tpu.memref_slice %arg4[%add3A_224] : memref<320000xi32, #tpu.memory_space<hbm>> -> memref<80xi32, #tpu.memory_space<hbm>>
      tpu.wait_dma2 semaphore(%arg12 : memref<!tpu.dma_semaphore, #tpu.memory_space<semaphore_mem>>) src(%dma_wait3A_260 : memref<80xi32, #tpu.memory_space<hbm>>) dst(%dma_wait3A_259 : memref<80xi32, #tpu.memory_space<vmem>>)
      %dma_start3A_261 = arith.constant 0 : i32
      %dma_start3A_262 = arith.constant 0 : i32
      %dma_start3A_263 = tpu.memref_slice %arg7[%dma_start3A_261, %dma_start3A_262] : memref<2x80xi32, #tpu.memory_space<vmem>> -> memref<1x80xi32, #tpu.memory_space<vmem>>
      %dma_start3A_264 = tpu.memref_squeeze %dma_start3A_263 : memref<1x80xi32, #tpu.memory_space<vmem>> -> memref<80xi32, #tpu.memory_space<vmem>>
      %dma_start3A_265 = arith.constant 0 : i32
      %dma_start3A_266 = arith.constant 0 : i32
      %dma_start3A_267 = tpu.memref_slice %arg2[%dma_start3A_265, %dma_start3A_266] : memref<10000x128xf32, #tpu.memory_space<hbm>> -> memref<10000x128xf32, #tpu.memory_space<hbm>>
      tpu.enqueue_indirect_dma source(%dma_start3A_267 : memref<10000x128xf32, #tpu.memory_space<hbm>>) target(%arg9 : memref<80x128xf32, #tpu.memory_space<vmem>>) offsets(%dma_start3A_264 : memref<80xi32, #tpu.memory_space<vmem>>) semaphore(%arg14 : memref<!tpu.dma_semaphore, #tpu.memory_space<semaphore_mem>>)
      %dma_wait3A_268 = arith.constant 1 : i32
      %dma_wait3A_269 = arith.constant 0 : i32
      %dma_wait3A_270 = tpu.memref_slice %arg7[%dma_wait3A_268, %dma_wait3A_269] : memref<2x80xi32, #tpu.memory_space<vmem>> -> memref<1x80xi32, #tpu.memory_space<vmem>>
      %dma_wait3A_271 = tpu.memref_squeeze %dma_wait3A_270 : memref<1x80xi32, #tpu.memory_space<vmem>> -> memref<80xi32, #tpu.memory_space<vmem>>
      %dma_wait3A_272 = arith.constant 0 : i32
      %dma_wait3A_273 = arith.constant 0 : i32
      %dma_wait3A_274 = tpu.memref_slice %arg2[%dma_wait3A_272, %dma_wait3A_273] : memref<10000x128xf32, #tpu.memory_space<hbm>> -> memref<10000x128xf32, #tpu.memory_space<hbm>>
      tpu.wait_indirect_dma semaphore(%arg15 : memref<!tpu.dma_semaphore, #tpu.memory_space<semaphore_mem>>) src(%dma_wait3A_274 : memref<10000x128xf32, #tpu.memory_space<hbm>>) dst(%arg10 : memref<80x128xf32, #tpu.memory_space<vmem>>)
      %run_scoped3A_275 = arith.constant 1 : i32
      "tpu.region"() ({
        %run_scoped3A_299 = tpu.sem_alloc : memref<!tpu.dma_semaphore, #tpu.memory_space<semaphore_mem>>
        %dma_start3A_300 = arith.constant 0 : i32
        %dma_start3A_301 = tpu.memref_slice %arg8[%run_scoped3A_275, %dma_start3A_300] : memref<2x80xi32, #tpu.memory_space<vmem>> -> memref<1x80xi32, #tpu.memory_space<vmem>>
        %dma_start3A_302 = tpu.memref_squeeze %dma_start3A_301 : memref<1x80xi32, #tpu.memory_space<vmem>> -> memref<80xi32, #tpu.memory_space<vmem>>
        %dma_start3A_303 = arith.constant 0 : i32
        %dma_start3A_304 = arith.constant 0 : i32
        %dma_start3A_305 = tpu.memref_slice %arg11[%dma_start3A_303, %dma_start3A_304] : memref<10112x128xf32, #tpu.memory_space<vmem_shared>> -> memref<10112x128xf32, #tpu.memory_space<vmem_shared>>
        tpu.enqueue_indirect_dma source(%arg10 : memref<80x128xf32, #tpu.memory_space<vmem>>) target(%dma_start3A_305 : memref<10112x128xf32, #tpu.memory_space<vmem_shared>>) offsets(%dma_start3A_302 : memref<80xi32, #tpu.memory_space<vmem>>) semaphore(%run_scoped3A_299 : memref<!tpu.dma_semaphore, #tpu.memory_space<semaphore_mem>>) {add = true}
        %dma_wait3A_306 = arith.constant 0 : i32
        %dma_wait3A_307 = tpu.memref_slice %arg8[%run_scoped3A_275, %dma_wait3A_306] : memref<2x80xi32, #tpu.memory_space<vmem>> -> memref<1x80xi32, #tpu.memory_space<vmem>>
        %dma_wait3A_308 = tpu.memref_squeeze %dma_wait3A_307 : memref<1x80xi32, #tpu.memory_space<vmem>> -> memref<80xi32, #tpu.memory_space<vmem>>
        %dma_wait3A_309 = arith.constant 0 : i32
        %dma_wait3A_310 = arith.constant 0 : i32
        %dma_wait3A_311 = tpu.memref_slice %arg11[%dma_wait3A_309, %dma_wait3A_310] : memref<10112x128xf32, #tpu.memory_space<vmem_shared>> -> memref<10112x128xf32, #tpu.memory_space<vmem_shared>>
        tpu.wait_indirect_dma semaphore(%run_scoped3A_299 : memref<!tpu.dma_semaphore, #tpu.memory_space<semaphore_mem>>) src(%arg10 : memref<80x128xf32, #tpu.memory_space<vmem>>) dst(%dma_wait3A_311 : memref<10112x128xf32, #tpu.memory_space<vmem_shared>>)
        tpu.yield
      }) : () -> ()
      %add3A_276 = arith.constant 3 : i32
      %add3A_277 = arith.addi %mul3A_182, %add3A_276 : i32
      %mul3A_278 = arith.constant 80 : i32
      %mul3A_279 = arith.muli %add3A_277, %mul3A_278 : i32
      %add3A_280 = arith.addi %mul3A_6, %mul3A_279 : i32
      %dma_start3A_281 = arith.constant 1 : i32
      %dma_start3A_282 = arith.constant 0 : i32
      %dma_start3A_283 = tpu.memref_slice %arg7[%dma_start3A_281, %dma_start3A_282] : memref<2x80xi32, #tpu.memory_space<vmem>> -> memref<1x80xi32, #tpu.memory_space<vmem>>
      %dma_start3A_284 = tpu.memref_squeeze %dma_start3A_283 : memref<1x80xi32, #tpu.memory_space<vmem>> -> memref<80xi32, #tpu.memory_space<vmem>>
      %dma_start3A_285 = tpu.memref_slice %arg3[%add3A_280] : memref<320000xi32, #tpu.memory_space<hbm>> -> memref<80xi32, #tpu.memory_space<hbm>>
      %dma_start3A_286 = arith.constant 0 : i32
      %dma_start3A_287 = tpu.memref_slice %arg7[%dma_start3A_281, %dma_start3A_286] : memref<2x80xi32, #tpu.memory_space<vmem>> -> memref<1x80xi32, #tpu.memory_space<vmem>>
      %dma_start3A_288 = tpu.memref_squeeze %dma_start3A_287 : memref<1x80xi32, #tpu.memory_space<vmem>> -> memref<80xi32, #tpu.memory_space<vmem>>
      %dma_start3A_289 = tpu.memref_slice %arg3[%add3A_280] : memref<320000xi32, #tpu.memory_space<hbm>> -> memref<80xi32, #tpu.memory_space<hbm>>
      tpu.enqueue_dma source(%dma_start3A_289 : memref<80xi32, #tpu.memory_space<hbm>>) target(%dma_start3A_288 : memref<80xi32, #tpu.memory_space<vmem>>) target_semaphore(%arg13 : memref<!tpu.dma_semaphore, #tpu.memory_space<semaphore_mem>>)
      %dma_start3A_290 = arith.constant 1 : i32
      %dma_start3A_291 = arith.constant 0 : i32
      %dma_start3A_292 = tpu.memref_slice %arg8[%dma_start3A_290, %dma_start3A_291] : memref<2x80xi32, #tpu.memory_space<vmem>> -> memref<1x80xi32, #tpu.memory_space<vmem>>
      %dma_start3A_293 = tpu.memref_squeeze %dma_start3A_292 : memref<1x80xi32, #tpu.memory_space<vmem>> -> memref<80xi32, #tpu.memory_space<vmem>>
      %dma_start3A_294 = tpu.memref_slice %arg4[%add3A_280] : memref<320000xi32, #tpu.memory_space<hbm>> -> memref<80xi32, #tpu.memory_space<hbm>>
      %dma_start3A_295 = arith.constant 0 : i32
      %dma_start3A_296 = tpu.memref_slice %arg8[%dma_start3A_290, %dma_start3A_295] : memref<2x80xi32, #tpu.memory_space<vmem>> -> memref<1x80xi32, #tpu.memory_space<vmem>>
      %dma_start3A_297 = tpu.memref_squeeze %dma_start3A_296 : memref<1x80xi32, #tpu.memory_space<vmem>> -> memref<80xi32, #tpu.memory_space<vmem>>
      %dma_start3A_298 = tpu.memref_slice %arg4[%add3A_280] : memref<320000xi32, #tpu.memory_space<hbm>> -> memref<80xi32, #tpu.memory_space<hbm>>
      tpu.enqueue_dma source(%dma_start3A_298 : memref<80xi32, #tpu.memory_space<hbm>>) target(%dma_start3A_297 : memref<80xi32, #tpu.memory_space<vmem>>) target_semaphore(%arg13 : memref<!tpu.dma_semaphore, #tpu.memory_space<semaphore_mem>>)
    }
    %scan3A_74 = arith.constant 61 : i32
    %dma_wait3A_75 = arith.constant 1 : i32
    %dma_wait3A_76 = arith.constant 0 : i32
    %dma_wait3A_77 = tpu.memref_slice %arg7[%dma_wait3A_75, %dma_wait3A_76] : memref<2x80xi32, #tpu.memory_space<vmem>> -> memref<1x80xi32, #tpu.memory_space<vmem>>
    %dma_wait3A_78 = tpu.memref_squeeze %dma_wait3A_77 : memref<1x80xi32, #tpu.memory_space<vmem>> -> memref<80xi32, #tpu.memory_space<vmem>>
    %dma_wait3A_79 = arith.constant 0 : i32
    %dma_wait3A_80 = tpu.memref_slice %arg3[%dma_wait3A_79] : memref<320000xi32, #tpu.memory_space<hbm>> -> memref<80xi32, #tpu.memory_space<hbm>>
    %dma_wait3A_81 = arith.constant 0 : i32
    %dma_wait3A_82 = tpu.memref_slice %arg7[%dma_wait3A_75, %dma_wait3A_81] : memref<2x80xi32, #tpu.memory_space<vmem>> -> memref<1x80xi32, #tpu.memory_space<vmem>>
    %dma_wait3A_83 = tpu.memref_squeeze %dma_wait3A_82 : memref<1x80xi32, #tpu.memory_space<vmem>> -> memref<80xi32, #tpu.memory_space<vmem>>
    %dma_wait3A_84 = arith.constant 0 : i32
    %dma_wait3A_85 = tpu.memref_slice %arg3[%dma_wait3A_84] : memref<320000xi32, #tpu.memory_space<hbm>> -> memref<80xi32, #tpu.memory_space<hbm>>
    tpu.wait_dma2 semaphore(%arg13 : memref<!tpu.dma_semaphore, #tpu.memory_space<semaphore_mem>>) src(%dma_wait3A_85 : memref<80xi32, #tpu.memory_space<hbm>>) dst(%dma_wait3A_83 : memref<80xi32, #tpu.memory_space<vmem>>)
    %dma_wait3A_86 = arith.constant 1 : i32
    %dma_wait3A_87 = arith.constant 0 : i32
    %dma_wait3A_88 = tpu.memref_slice %arg8[%dma_wait3A_86, %dma_wait3A_87] : memref<2x80xi32, #tpu.memory_space<vmem>> -> memref<1x80xi32, #tpu.memory_space<vmem>>
    %dma_wait3A_89 = tpu.memref_squeeze %dma_wait3A_88 : memref<1x80xi32, #tpu.memory_space<vmem>> -> memref<80xi32, #tpu.memory_space<vmem>>
    %dma_wait3A_90 = arith.constant 0 : i32
    %dma_wait3A_91 = tpu.memref_slice %arg4[%dma_wait3A_90] : memref<320000xi32, #tpu.memory_space<hbm>> -> memref<80xi32, #tpu.memory_space<hbm>>
    %dma_wait3A_92 = arith.constant 0 : i32
    %dma_wait3A_93 = tpu.memref_slice %arg8[%dma_wait3A_86, %dma_wait3A_92] : memref<2x80xi32, #tpu.memory_space<vmem>> -> memref<1x80xi32, #tpu.memory_space<vmem>>
    %dma_wait3A_94 = tpu.memref_squeeze %dma_wait3A_93 : memref<1x80xi32, #tpu.memory_space<vmem>> -> memref<80xi32, #tpu.memory_space<vmem>>
    %dma_wait3A_95 = arith.constant 0 : i32
    %dma_wait3A_96 = tpu.memref_slice %arg4[%dma_wait3A_95] : memref<320000xi32, #tpu.memory_space<hbm>> -> memref<80xi32, #tpu.memory_space<hbm>>
    tpu.wait_dma2 semaphore(%arg13 : memref<!tpu.dma_semaphore, #tpu.memory_space<semaphore_mem>>) src(%dma_wait3A_96 : memref<80xi32, #tpu.memory_space<hbm>>) dst(%dma_wait3A_94 : memref<80xi32, #tpu.memory_space<vmem>>)
    %dma_start3A_97 = arith.constant 1 : i32
    %dma_start3A_98 = arith.constant 0 : i32
    %dma_start3A_99 = tpu.memref_slice %arg7[%dma_start3A_97, %dma_start3A_98] : memref<2x80xi32, #tpu.memory_space<vmem>> -> memref<1x80xi32, #tpu.memory_space<vmem>>
    %dma_start3A_100 = tpu.memref_squeeze %dma_start3A_99 : memref<1x80xi32, #tpu.memory_space<vmem>> -> memref<80xi32, #tpu.memory_space<vmem>>
    %dma_start3A_101 = arith.constant 0 : i32
    %dma_start3A_102 = arith.constant 0 : i32
    %dma_start3A_103 = tpu.memref_slice %arg2[%dma_start3A_101, %dma_start3A_102] : memref<10000x128xf32, #tpu.memory_space<hbm>> -> memref<10000x128xf32, #tpu.memory_space<hbm>>
    tpu.enqueue_indirect_dma source(%dma_start3A_103 : memref<10000x128xf32, #tpu.memory_space<hbm>>) target(%arg10 : memref<80x128xf32, #tpu.memory_space<vmem>>) offsets(%dma_start3A_100 : memref<80xi32, #tpu.memory_space<vmem>>) semaphore(%arg15 : memref<!tpu.dma_semaphore, #tpu.memory_space<semaphore_mem>>)
    %dma_wait3A_104 = arith.constant 0 : i32
    %dma_wait3A_105 = arith.constant 0 : i32
    %dma_wait3A_106 = tpu.memref_slice %arg7[%dma_wait3A_104, %dma_wait3A_105] : memref<2x80xi32, #tpu.memory_space<vmem>> -> memref<1x80xi32, #tpu.memory_space<vmem>>
    %dma_wait3A_107 = tpu.memref_squeeze %dma_wait3A_106 : memref<1x80xi32, #tpu.memory_space<vmem>> -> memref<80xi32, #tpu.memory_space<vmem>>
    %dma_wait3A_108 = arith.constant 0 : i32
    %dma_wait3A_109 = arith.constant 0 : i32
    %dma_wait3A_110 = tpu.memref_slice %arg2[%dma_wait3A_108, %dma_wait3A_109] : memref<10000x128xf32, #tpu.memory_space<hbm>> -> memref<10000x128xf32, #tpu.memory_space<hbm>>
    tpu.wait_indirect_dma semaphore(%arg14 : memref<!tpu.dma_semaphore, #tpu.memory_space<semaphore_mem>>) src(%dma_wait3A_110 : memref<10000x128xf32, #tpu.memory_space<hbm>>) dst(%arg9 : memref<80x128xf32, #tpu.memory_space<vmem>>)
    %run_scoped3A = arith.constant 0 : i32
    "tpu.region"() ({
      %run_scoped3A_180 = tpu.sem_alloc : memref<!tpu.dma_semaphore, #tpu.memory_space<semaphore_mem>>
      %dma_start3A_181 = arith.constant 0 : i32
      %dma_start3A_182 = tpu.memref_slice %arg8[%run_scoped3A, %dma_start3A_181] : memref<2x80xi32, #tpu.memory_space<vmem>> -> memref<1x80xi32, #tpu.memory_space<vmem>>
      %dma_start3A_183 = tpu.memref_squeeze %dma_start3A_182 : memref<1x80xi32, #tpu.memory_space<vmem>> -> memref<80xi32, #tpu.memory_space<vmem>>
      %dma_start3A_184 = arith.constant 0 : i32
      %dma_start3A_185 = arith.constant 0 : i32
      %dma_start3A_186 = tpu.memref_slice %arg11[%dma_start3A_184, %dma_start3A_185] : memref<10112x128xf32, #tpu.memory_space<vmem_shared>> -> memref<10112x128xf32, #tpu.memory_space<vmem_shared>>
      tpu.enqueue_indirect_dma source(%arg9 : memref<80x128xf32, #tpu.memory_space<vmem>>) target(%dma_start3A_186 : memref<10112x128xf32, #tpu.memory_space<vmem_shared>>) offsets(%dma_start3A_183 : memref<80xi32, #tpu.memory_space<vmem>>) semaphore(%run_scoped3A_180 : memref<!tpu.dma_semaphore, #tpu.memory_space<semaphore_mem>>) {add = true}
      %dma_wait3A_187 = arith.constant 0 : i32
      %dma_wait3A_188 = tpu.memref_slice %arg8[%run_scoped3A, %dma_wait3A_187] : memref<2x80xi32, #tpu.memory_space<vmem>> -> memref<1x80xi32, #tpu.memory_space<vmem>>
      %dma_wait3A_189 = tpu.memref_squeeze %dma_wait3A_188 : memref<1x80xi32, #tpu.memory_space<vmem>> -> memref<80xi32, #tpu.memory_space<vmem>>
      %dma_wait3A_190 = arith.constant 0 : i32
      %dma_wait3A_191 = arith.constant 0 : i32
      %dma_wait3A_192 = tpu.memref_slice %arg11[%dma_wait3A_190, %dma_wait3A_191] : memref<10112x128xf32, #tpu.memory_space<vmem_shared>> -> memref<10112x128xf32, #tpu.memory_space<vmem_shared>>
      tpu.wait_indirect_dma semaphore(%run_scoped3A_180 : memref<!tpu.dma_semaphore, #tpu.memory_space<semaphore_mem>>) src(%arg9 : memref<80x128xf32, #tpu.memory_space<vmem>>) dst(%dma_wait3A_192 : memref<10112x128xf32, #tpu.memory_space<vmem_shared>>)
      tpu.yield
    }) : () -> ()
    %add3A_111 = arith.constant 9920 : i32
    %add3A_112 = arith.addi %mul3A_6, %add3A_111 : i32
    %dma_start3A_113 = arith.constant 0 : i32
    %dma_start3A_114 = arith.constant 0 : i32
    %dma_start3A_115 = tpu.memref_slice %arg7[%dma_start3A_113, %dma_start3A_114] : memref<2x80xi32, #tpu.memory_space<vmem>> -> memref<1x80xi32, #tpu.memory_space<vmem>>
    %dma_start3A_116 = tpu.memref_squeeze %dma_start3A_115 : memref<1x80xi32, #tpu.memory_space<vmem>> -> memref<80xi32, #tpu.memory_space<vmem>>
    %dma_start3A_117 = tpu.memref_slice %arg3[%add3A_112] : memref<320000xi32, #tpu.memory_space<hbm>> -> memref<80xi32, #tpu.memory_space<hbm>>
    %dma_start3A_118 = arith.constant 0 : i32
    %dma_start3A_119 = tpu.memref_slice %arg7[%dma_start3A_113, %dma_start3A_118] : memref<2x80xi32, #tpu.memory_space<vmem>> -> memref<1x80xi32, #tpu.memory_space<vmem>>
    %dma_start3A_120 = tpu.memref_squeeze %dma_start3A_119 : memref<1x80xi32, #tpu.memory_space<vmem>> -> memref<80xi32, #tpu.memory_space<vmem>>
    %dma_start3A_121 = tpu.memref_slice %arg3[%add3A_112] : memref<320000xi32, #tpu.memory_space<hbm>> -> memref<80xi32, #tpu.memory_space<hbm>>
    tpu.enqueue_dma source(%dma_start3A_121 : memref<80xi32, #tpu.memory_space<hbm>>) target(%dma_start3A_120 : memref<80xi32, #tpu.memory_space<vmem>>) target_semaphore(%arg12 : memref<!tpu.dma_semaphore, #tpu.memory_space<semaphore_mem>>)
    %dma_start3A_122 = arith.constant 0 : i32
    %dma_start3A_123 = arith.constant 0 : i32
    %dma_start3A_124 = tpu.memref_slice %arg8[%dma_start3A_122, %dma_start3A_123] : memref<2x80xi32, #tpu.memory_space<vmem>> -> memref<1x80xi32, #tpu.memory_space<vmem>>
    %dma_start3A_125 = tpu.memref_squeeze %dma_start3A_124 : memref<1x80xi32, #tpu.memory_space<vmem>> -> memref<80xi32, #tpu.memory_space<vmem>>
    %dma_start3A_126 = tpu.memref_slice %arg4[%add3A_112] : memref<320000xi32, #tpu.memory_space<hbm>> -> memref<80xi32, #tpu.memory_space<hbm>>
    %dma_start3A_127 = arith.constant 0 : i32
    %dma_start3A_128 = tpu.memref_slice %arg8[%dma_start3A_122, %dma_start3A_127] : memref<2x80xi32, #tpu.memory_space<vmem>> -> memref<1x80xi32, #tpu.memory_space<vmem>>
    %dma_start3A_129 = tpu.memref_squeeze %dma_start3A_128 : memref<1x80xi32, #tpu.memory_space<vmem>> -> memref<80xi32, #tpu.memory_space<vmem>>
    %dma_start3A_130 = tpu.memref_slice %arg4[%add3A_112] : memref<320000xi32, #tpu.memory_space<hbm>> -> memref<80xi32, #tpu.memory_space<hbm>>
    tpu.enqueue_dma source(%dma_start3A_130 : memref<80xi32, #tpu.memory_space<hbm>>) target(%dma_start3A_129 : memref<80xi32, #tpu.memory_space<vmem>>) target_semaphore(%arg12 : memref<!tpu.dma_semaphore, #tpu.memory_space<semaphore_mem>>)
    %dma_wait3A_131 = arith.constant 0 : i32
    %dma_wait3A_132 = arith.constant 0 : i32
    %dma_wait3A_133 = tpu.memref_slice %arg7[%dma_wait3A_131, %dma_wait3A_132] : memref<2x80xi32, #tpu.memory_space<vmem>> -> memref<1x80xi32, #tpu.memory_space<vmem>>
    %dma_wait3A_134 = tpu.memref_squeeze %dma_wait3A_133 : memref<1x80xi32, #tpu.memory_space<vmem>> -> memref<80xi32, #tpu.memory_space<vmem>>
    %dma_wait3A_135 = tpu.memref_slice %arg3[%add3A_112] : memref<320000xi32, #tpu.memory_space<hbm>> -> memref<80xi32, #tpu.memory_space<hbm>>
    %dma_wait3A_136 = arith.constant 0 : i32
    %dma_wait3A_137 = tpu.memref_slice %arg7[%dma_wait3A_131, %dma_wait3A_136] : memref<2x80xi32, #tpu.memory_space<vmem>> -> memref<1x80xi32, #tpu.memory_space<vmem>>
    %dma_wait3A_138 = tpu.memref_squeeze %dma_wait3A_137 : memref<1x80xi32, #tpu.memory_space<vmem>> -> memref<80xi32, #tpu.memory_space<vmem>>
    %dma_wait3A_139 = tpu.memref_slice %arg3[%add3A_112] : memref<320000xi32, #tpu.memory_space<hbm>> -> memref<80xi32, #tpu.memory_space<hbm>>
    tpu.wait_dma2 semaphore(%arg12 : memref<!tpu.dma_semaphore, #tpu.memory_space<semaphore_mem>>) src(%dma_wait3A_139 : memref<80xi32, #tpu.memory_space<hbm>>) dst(%dma_wait3A_138 : memref<80xi32, #tpu.memory_space<vmem>>)
    %dma_wait3A_140 = arith.constant 0 : i32
    %dma_wait3A_141 = arith.constant 0 : i32
    %dma_wait3A_142 = tpu.memref_slice %arg8[%dma_wait3A_140, %dma_wait3A_141] : memref<2x80xi32, #tpu.memory_space<vmem>> -> memref<1x80xi32, #tpu.memory_space<vmem>>
    %dma_wait3A_143 = tpu.memref_squeeze %dma_wait3A_142 : memref<1x80xi32, #tpu.memory_space<vmem>> -> memref<80xi32, #tpu.memory_space<vmem>>
    %dma_wait3A_144 = tpu.memref_slice %arg4[%add3A_112] : memref<320000xi32, #tpu.memory_space<hbm>> -> memref<80xi32, #tpu.memory_space<hbm>>
    %dma_wait3A_145 = arith.constant 0 : i32
    %dma_wait3A_146 = tpu.memref_slice %arg8[%dma_wait3A_140, %dma_wait3A_145] : memref<2x80xi32, #tpu.memory_space<vmem>> -> memref<1x80xi32, #tpu.memory_space<vmem>>
    %dma_wait3A_147 = tpu.memref_squeeze %dma_wait3A_146 : memref<1x80xi32, #tpu.memory_space<vmem>> -> memref<80xi32, #tpu.memory_space<vmem>>
    %dma_wait3A_148 = tpu.memref_slice %arg4[%add3A_112] : memref<320000xi32, #tpu.memory_space<hbm>> -> memref<80xi32, #tpu.memory_space<hbm>>
    tpu.wait_dma2 semaphore(%arg12 : memref<!tpu.dma_semaphore, #tpu.memory_space<semaphore_mem>>) src(%dma_wait3A_148 : memref<80xi32, #tpu.memory_space<hbm>>) dst(%dma_wait3A_147 : memref<80xi32, #tpu.memory_space<vmem>>)
    %dma_start3A_149 = arith.constant 0 : i32
    %dma_start3A_150 = arith.constant 0 : i32
    %dma_start3A_151 = tpu.memref_slice %arg7[%dma_start3A_149, %dma_start3A_150] : memref<2x80xi32, #tpu.memory_space<vmem>> -> memref<1x80xi32, #tpu.memory_space<vmem>>
    %dma_start3A_152 = tpu.memref_squeeze %dma_start3A_151 : memref<1x80xi32, #tpu.memory_space<vmem>> -> memref<80xi32, #tpu.memory_space<vmem>>
    %dma_start3A_153 = arith.constant 0 : i32
    %dma_start3A_154 = arith.constant 0 : i32
    %dma_start3A_155 = tpu.memref_slice %arg2[%dma_start3A_153, %dma_start3A_154] : memref<10000x128xf32, #tpu.memory_space<hbm>> -> memref<10000x128xf32, #tpu.memory_space<hbm>>
    tpu.enqueue_indirect_dma source(%dma_start3A_155 : memref<10000x128xf32, #tpu.memory_space<hbm>>) target(%arg9 : memref<80x128xf32, #tpu.memory_space<vmem>>) offsets(%dma_start3A_152 : memref<80xi32, #tpu.memory_space<vmem>>) semaphore(%arg14 : memref<!tpu.dma_semaphore, #tpu.memory_space<semaphore_mem>>)
    %dma_wait3A_156 = arith.constant 1 : i32
    %dma_wait3A_157 = arith.constant 0 : i32
    %dma_wait3A_158 = tpu.memref_slice %arg7[%dma_wait3A_156, %dma_wait3A_157] : memref<2x80xi32, #tpu.memory_space<vmem>> -> memref<1x80xi32, #tpu.memory_space<vmem>>
    %dma_wait3A_159 = tpu.memref_squeeze %dma_wait3A_158 : memref<1x80xi32, #tpu.memory_space<vmem>> -> memref<80xi32, #tpu.memory_space<vmem>>
    %dma_wait3A_160 = arith.constant 0 : i32
    %dma_wait3A_161 = arith.constant 0 : i32
    %dma_wait3A_162 = tpu.memref_slice %arg2[%dma_wait3A_160, %dma_wait3A_161] : memref<10000x128xf32, #tpu.memory_space<hbm>> -> memref<10000x128xf32, #tpu.memory_space<hbm>>
    tpu.wait_indirect_dma semaphore(%arg15 : memref<!tpu.dma_semaphore, #tpu.memory_space<semaphore_mem>>) src(%dma_wait3A_162 : memref<10000x128xf32, #tpu.memory_space<hbm>>) dst(%arg10 : memref<80x128xf32, #tpu.memory_space<vmem>>)
    %run_scoped3A_163 = arith.constant 1 : i32
    "tpu.region"() ({
      %run_scoped3A_180 = tpu.sem_alloc : memref<!tpu.dma_semaphore, #tpu.memory_space<semaphore_mem>>
      %dma_start3A_181 = arith.constant 0 : i32
      %dma_start3A_182 = tpu.memref_slice %arg8[%run_scoped3A_163, %dma_start3A_181] : memref<2x80xi32, #tpu.memory_space<vmem>> -> memref<1x80xi32, #tpu.memory_space<vmem>>
      %dma_start3A_183 = tpu.memref_squeeze %dma_start3A_182 : memref<1x80xi32, #tpu.memory_space<vmem>> -> memref<80xi32, #tpu.memory_space<vmem>>
      %dma_start3A_184 = arith.constant 0 : i32
      %dma_start3A_185 = arith.constant 0 : i32
      %dma_start3A_186 = tpu.memref_slice %arg11[%dma_start3A_184, %dma_start3A_185] : memref<10112x128xf32, #tpu.memory_space<vmem_shared>> -> memref<10112x128xf32, #tpu.memory_space<vmem_shared>>
      tpu.enqueue_indirect_dma source(%arg10 : memref<80x128xf32, #tpu.memory_space<vmem>>) target(%dma_start3A_186 : memref<10112x128xf32, #tpu.memory_space<vmem_shared>>) offsets(%dma_start3A_183 : memref<80xi32, #tpu.memory_space<vmem>>) semaphore(%run_scoped3A_180 : memref<!tpu.dma_semaphore, #tpu.memory_space<semaphore_mem>>) {add = true}
      %dma_wait3A_187 = arith.constant 0 : i32
      %dma_wait3A_188 = tpu.memref_slice %arg8[%run_scoped3A_163, %dma_wait3A_187] : memref<2x80xi32, #tpu.memory_space<vmem>> -> memref<1x80xi32, #tpu.memory_space<vmem>>
      %dma_wait3A_189 = tpu.memref_squeeze %dma_wait3A_188 : memref<1x80xi32, #tpu.memory_space<vmem>> -> memref<80xi32, #tpu.memory_space<vmem>>
      %dma_wait3A_190 = arith.constant 0 : i32
      %dma_wait3A_191 = arith.constant 0 : i32
      %dma_wait3A_192 = tpu.memref_slice %arg11[%dma_wait3A_190, %dma_wait3A_191] : memref<10112x128xf32, #tpu.memory_space<vmem_shared>> -> memref<10112x128xf32, #tpu.memory_space<vmem_shared>>
      tpu.wait_indirect_dma semaphore(%run_scoped3A_180 : memref<!tpu.dma_semaphore, #tpu.memory_space<semaphore_mem>>) src(%arg10 : memref<80x128xf32, #tpu.memory_space<vmem>>) dst(%dma_wait3A_192 : memref<10112x128xf32, #tpu.memory_space<vmem_shared>>)
      tpu.yield
    }) : () -> ()
    %dma_wait3A_164 = arith.constant 0 : i32
    %dma_wait3A_165 = arith.constant 0 : i32
    %dma_wait3A_166 = tpu.memref_slice %arg7[%dma_wait3A_164, %dma_wait3A_165] : memref<2x80xi32, #tpu.memory_space<vmem>> -> memref<1x80xi32, #tpu.memory_space<vmem>>
    %dma_wait3A_167 = tpu.memref_squeeze %dma_wait3A_166 : memref<1x80xi32, #tpu.memory_space<vmem>> -> memref<80xi32, #tpu.memory_space<vmem>>
    %dma_wait3A_168 = arith.constant 0 : i32
    %dma_wait3A_169 = arith.constant 0 : i32
    %dma_wait3A_170 = tpu.memref_slice %arg2[%dma_wait3A_168, %dma_wait3A_169] : memref<10000x128xf32, #tpu.memory_space<hbm>> -> memref<10000x128xf32, #tpu.memory_space<hbm>>
    tpu.wait_indirect_dma semaphore(%arg14 : memref<!tpu.dma_semaphore, #tpu.memory_space<semaphore_mem>>) src(%dma_wait3A_170 : memref<10000x128xf32, #tpu.memory_space<hbm>>) dst(%arg9 : memref<80x128xf32, #tpu.memory_space<vmem>>)
    %run_scoped3A_171 = arith.constant 0 : i32
    "tpu.region"() ({
      %run_scoped3A_180 = tpu.sem_alloc : memref<!tpu.dma_semaphore, #tpu.memory_space<semaphore_mem>>
      %dma_start3A_181 = arith.constant 0 : i32
      %dma_start3A_182 = tpu.memref_slice %arg8[%run_scoped3A_171, %dma_start3A_181] : memref<2x80xi32, #tpu.memory_space<vmem>> -> memref<1x80xi32, #tpu.memory_space<vmem>>
      %dma_start3A_183 = tpu.memref_squeeze %dma_start3A_182 : memref<1x80xi32, #tpu.memory_space<vmem>> -> memref<80xi32, #tpu.memory_space<vmem>>
      %dma_start3A_184 = arith.constant 0 : i32
      %dma_start3A_185 = arith.constant 0 : i32
      %dma_start3A_186 = tpu.memref_slice %arg11[%dma_start3A_184, %dma_start3A_185] : memref<10112x128xf32, #tpu.memory_space<vmem_shared>> -> memref<10112x128xf32, #tpu.memory_space<vmem_shared>>
      tpu.enqueue_indirect_dma source(%arg9 : memref<80x128xf32, #tpu.memory_space<vmem>>) target(%dma_start3A_186 : memref<10112x128xf32, #tpu.memory_space<vmem_shared>>) offsets(%dma_start3A_183 : memref<80xi32, #tpu.memory_space<vmem>>) semaphore(%run_scoped3A_180 : memref<!tpu.dma_semaphore, #tpu.memory_space<semaphore_mem>>) {add = true}
      %dma_wait3A_187 = arith.constant 0 : i32
      %dma_wait3A_188 = tpu.memref_slice %arg8[%run_scoped3A_171, %dma_wait3A_187] : memref<2x80xi32, #tpu.memory_space<vmem>> -> memref<1x80xi32, #tpu.memory_space<vmem>>
      %dma_wait3A_189 = tpu.memref_squeeze %dma_wait3A_188 : memref<1x80xi32, #tpu.memory_space<vmem>> -> memref<80xi32, #tpu.memory_space<vmem>>
      %dma_wait3A_190 = arith.constant 0 : i32
      %dma_wait3A_191 = arith.constant 0 : i32
      %dma_wait3A_192 = tpu.memref_slice %arg11[%dma_wait3A_190, %dma_wait3A_191] : memref<10112x128xf32, #tpu.memory_space<vmem_shared>> -> memref<10112x128xf32, #tpu.memory_space<vmem_shared>>
      tpu.wait_indirect_dma semaphore(%run_scoped3A_180 : memref<!tpu.dma_semaphore, #tpu.memory_space<semaphore_mem>>) src(%arg9 : memref<80x128xf32, #tpu.memory_space<vmem>>) dst(%dma_wait3A_192 : memref<10112x128xf32, #tpu.memory_space<vmem_shared>>)
      tpu.yield
    }) : () -> ()
    %barrier3A_172 = arith.constant 0 : index
    tpu.barrier barrier_id(%barrier3A_172)
    %mul3A_173 = arith.constant 632 : i32
    %mul3A_174 = arith.muli %arg1, %mul3A_173 : i32
    %mul3A_175 = arith.constant 10112 : i32
    %mul3A_176 = arith.muli %arg0, %mul3A_175 : i32
    %mul3A_177 = arith.constant 632 : i32
    %mul3A_178 = arith.muli %arg1, %mul3A_177 : i32
    %add3A_179 = arith.addi %mul3A_176, %mul3A_178 : i32
    "tpu.region"() ({
      %run_scoped3A_180 = tpu.sem_alloc : memref<!tpu.dma_semaphore, #tpu.memory_space<semaphore_mem>>
      %dma_start3A_181 = arith.constant 0 : i32
      %dma_start3A_182 = tpu.memref_slice %arg6[%add3A_179, %dma_start3A_181] : memref<20224x128xf32, #tpu.memory_space<hbm>> -> memref<632x128xf32, #tpu.memory_space<hbm>>
      %dma_start3A_183 = arith.constant 0 : i32
      %dma_start3A_184 = tpu.memref_slice %arg11[%mul3A_174, %dma_start3A_183] : memref<10112x128xf32, #tpu.memory_space<vmem_shared>> -> memref<632x128xf32, #tpu.memory_space<vmem_shared>>
      tpu.enqueue_dma source(%dma_start3A_184 : memref<632x128xf32, #tpu.memory_space<vmem_shared>>) target(%dma_start3A_182 : memref<632x128xf32, #tpu.memory_space<hbm>>) target_semaphore(%run_scoped3A_180 : memref<!tpu.dma_semaphore, #tpu.memory_space<semaphore_mem>>)
      %dma_wait3A_185 = arith.constant 0 : i32
      %dma_wait3A_186 = tpu.memref_slice %arg6[%add3A_179, %dma_wait3A_185] : memref<20224x128xf32, #tpu.memory_space<hbm>> -> memref<632x128xf32, #tpu.memory_space<hbm>>
      %dma_wait3A_187 = arith.constant 0 : i32
      %dma_wait3A_188 = tpu.memref_slice %arg11[%mul3A_174, %dma_wait3A_187] : memref<10112x128xf32, #tpu.memory_space<vmem_shared>> -> memref<632x128xf32, #tpu.memory_space<vmem_shared>>
      tpu.wait_dma2 semaphore(%run_scoped3A_180 : memref<!tpu.dma_semaphore, #tpu.memory_space<semaphore_mem>>) src(%dma_wait3A_188 : memref<632x128xf32, #tpu.memory_space<vmem_shared>>) dst(%dma_wait3A_186 : memref<632x128xf32, #tpu.memory_space<hbm>>)
      tpu.yield
    }) : () -> ()
    return
  }
}

module attributes {stable_mosaic.version = 14 : i64} {
  func.func @_deg_body(%arg0: i32, %arg1: memref<2560x1xi32, #tpu.memory_space<vmem>>, %arg2: memref<128x128xf32, #tpu.memory_space<vmem>>) attributes {dimension_semantics = [#tpu.dimension_semantics<arbitrary>], iteration_bounds = array<i64: 125>, scalar_prefetch = 0 : i64, scratch_operands = 0 : i64, tpu.core_type = #tpu.core_type<tc>, window_params = [{transform_indices = @transform_0, window_bounds = array<i64: 2560, 1>}, {pipeline_mode = #tpu.pipeline_mode<synchronous>, transform_indices = @transform_1, window_bounds = array<i64: 128, 128>}]} {
    %get3A = arith.constant 0 : index
    %get3A_0 = arith.constant 0 : index
    %get3A_1 = vector.load %arg1[%get3A, %get3A_0] : memref<2560x1xi32, #tpu.memory_space<vmem>>, vector<2560x1xi32>
    %iota3A = tpu.iota {dimensions = array<i32: 1>} : vector<1x128xi32>
    %rem3A = arith.constant 128 : i32
    %rem3A_2 = vector.broadcast %rem3A : i32 to vector<2560x1xi32>
    %rem3A_3 = arith.remsi %get3A_1, %rem3A_2 : vector<2560x1xi32>
    %eq3A = vector.broadcast %rem3A_3 : vector<2560x1xi32> to vector<2560x128xi32>
    %eq3A_4 = vector.broadcast %iota3A : vector<1x128xi32> to vector<2560x128xi32>
    %eq3A_5 = arith.cmpi eq, %eq3A, %eq3A_4 : vector<2560x128xi32>
    %convert_element_type3A = arith.extui %eq3A_5 : vector<2560x128xi1> to vector<2560x128xi32>
    %convert_element_type3A_6 = arith.sitofp %convert_element_type3A : vector<2560x128xi32> to vector<2560x128xf32>
    %div3A = arith.constant 128 : i32
    %div3A_7 = vector.broadcast %div3A : i32 to vector<2560x1xi32>
    %div3A_8 = arith.divsi %get3A_1, %div3A_7 : vector<2560x1xi32>
    %eq3A_9 = vector.broadcast %div3A_8 : vector<2560x1xi32> to vector<2560x128xi32>
    %eq3A_10 = vector.broadcast %iota3A : vector<1x128xi32> to vector<2560x128xi32>
    %eq3A_11 = arith.cmpi eq, %eq3A_9, %eq3A_10 : vector<2560x128xi32>
    %convert_element_type3A_12 = arith.extui %eq3A_11 : vector<2560x128xi1> to vector<2560x128xi32>
    %convert_element_type3A_13 = arith.sitofp %convert_element_type3A_12 : vector<2560x128xi32> to vector<2560x128xf32>
    %dot_general3A = arith.constant dense<0.000000e+00> : vector<128x128xf32>
    %dot_general3A_14 = tpu.matmul %convert_element_type3A_6, %convert_element_type3A_13, %dot_general3A {dimension_numbers = #tpu.dot_dimension_numbers<[0], [0], [1], [1], [0, 1, 1, 1], [], []>, transpose_lhs_hint = false} : vector<2560x128xf32>, vector<2560x128xf32>, vector<128x128xf32> -> vector<128x128xf32>
    %eq3A_15 = arith.constant 0 : i32
    %eq3A_16 = arith.cmpi eq, %arg0, %eq3A_15 : i32
    %convert_element_type3A_17 = arith.extui %eq3A_16 : i1 to i32
    %cond3A = arith.constant 0 : i32
    %cond3A_18 = arith.cmpi ne, %convert_element_type3A_17, %cond3A : i32
    scf.if %cond3A_18 {
      %broadcast_in_dim3A = arith.constant 0.000000e+00 : f32
      %broadcast_in_dim3A_24 = vector.broadcast %broadcast_in_dim3A : f32 to vector<128x128xf32>
      %swap3A_25 = arith.constant 0 : index
      %swap3A_26 = arith.constant 0 : index
      %swap3A_27 = vector.load %arg2[%swap3A_25, %swap3A_26] : memref<128x128xf32, #tpu.memory_space<vmem>>, vector<128x128xf32>
      tpu.vector_store %arg2[%swap3A_25, %swap3A_26], %broadcast_in_dim3A_24 {strides = array<i32>} : memref<128x128xf32, #tpu.memory_space<vmem>>, vector<128x128xf32>,
    } else {
    }
    %get3A_19 = arith.constant 0 : index
    %get3A_20 = arith.constant 0 : index
    %get3A_21 = vector.load %arg2[%get3A_19, %get3A_20] : memref<128x128xf32, #tpu.memory_space<vmem>>, vector<128x128xf32>
    %add3A = arith.addf %get3A_21, %dot_general3A_14 : vector<128x128xf32>
    %swap3A = arith.constant 0 : index
    %swap3A_22 = arith.constant 0 : index
    %swap3A_23 = vector.load %arg2[%swap3A, %swap3A_22] : memref<128x128xf32, #tpu.memory_space<vmem>>, vector<128x128xf32>
    tpu.vector_store %arg2[%swap3A, %swap3A_22], %add3A {strides = array<i32>} : memref<128x128xf32, #tpu.memory_space<vmem>>, vector<128x128xf32>,
    return
  }
  func.func @transform_0(%arg0: i32) -> (i32, i32) {
    %c0_i32 = arith.constant 0 : i32
    %c0_i32_0 = arith.constant 0 : i32
    return %arg0, %c0_i32 : i32, i32
  }
  func.func @transform_1(%arg0: i32) -> (i32, i32) {
    %c0_i32 = arith.constant 0 : i32
    %c0_i32_0 = arith.constant 0 : i32
    %c0_i32_1 = arith.constant 0 : i32
    return %c0_i32, %c0_i32_0 : i32, i32
  }
}

module attributes {stable_mosaic.version = 14 : i64} {
  func.func @_tc_body(%arg0: i32, %arg1: memref<1000x128xf32, #tpu.memory_space<vmem>>, %arg2: memref<1000x128xf32, #tpu.memory_space<vmem>>, %arg3: memref<1000x128xf32, #tpu.memory_space<vmem>>, %arg4: memref<1000x1xf32, #tpu.memory_space<vmem>>, %arg5: memref<256x128xf32, #tpu.memory_space<vmem>>, %arg6: memref<1x128xf32, #tpu.memory_space<vmem>>, %arg7: memref<1000x128xf32, #tpu.memory_space<vmem>>) attributes {dimension_semantics = [#tpu.dimension_semantics<arbitrary>], iteration_bounds = array<i64: 10>, scalar_prefetch = 0 : i64, scratch_operands = 0 : i64, tpu.core_type = #tpu.core_type<tc>, window_params = [{transform_indices = @transform_0, window_bounds = array<i64: 1000, 128>}, {transform_indices = @transform_1, window_bounds = array<i64: 1000, 128>}, {transform_indices = @transform_2, window_bounds = array<i64: 1000, 128>}, {transform_indices = @transform_3, window_bounds = array<i64: 1000, 1>}, {pipeline_mode = #tpu.pipeline_mode<synchronous>, transform_indices = @transform_4, window_bounds = array<i64: 256, 128>}, {pipeline_mode = #tpu.pipeline_mode<synchronous>, transform_indices = @transform_5, window_bounds = array<i64: 1, 128>}, {transform_indices = @transform_6, window_bounds = array<i64: 1000, 128>}]} {
    %get3A = arith.constant 0 : index
    %get3A_0 = arith.constant 0 : index
    %get3A_1 = vector.load %arg4[%get3A, %get3A_0] : memref<1000x1xf32, #tpu.memory_space<vmem>>, vector<1000x1xf32>
    %max3A = arith.constant 1.000000e+00 : f32
    %max3A_2 = vector.broadcast %max3A : f32 to vector<1000x1xf32>
    %max3A_3 = arith.maximumf %get3A_1, %max3A_2 : vector<1000x1xf32>
    %get3A_4 = arith.constant 0 : index
    %get3A_5 = arith.constant 0 : index
    %get3A_6 = vector.load %arg2[%get3A_4, %get3A_5] : memref<1000x128xf32, #tpu.memory_space<vmem>>, vector<1000x128xf32>
    %get3A_7 = arith.constant 0 : index
    %get3A_8 = arith.constant 0 : index
    %get3A_9 = vector.load %arg3[%get3A_7, %get3A_8] : memref<1000x128xf32, #tpu.memory_space<vmem>>, vector<1000x128xf32>
    %add3A = arith.addf %get3A_6, %get3A_9 : vector<1000x128xf32>
    %div3A = vector.broadcast %max3A_3 : vector<1000x1xf32> to vector<1000x128xf32>
    %div3A_10 = arith.divf %add3A, %div3A : vector<1000x128xf32>
    %get3A_11 = arith.constant 0 : index
    %get3A_12 = arith.constant 0 : index
    %get3A_13 = vector.load %arg5[%get3A_11, %get3A_12] : memref<256x128xf32, #tpu.memory_space<vmem>>, vector<256x128xf32>
    %get3A_14 = arith.constant 0 : index
    %get3A_15 = arith.constant 0 : index
    %get3A_16 = vector.load %arg1[%get3A_14, %get3A_15] : memref<1000x128xf32, #tpu.memory_space<vmem>>, vector<1000x128xf32>
    %slice3A = vector.extract_strided_slice %get3A_13 {offsets = [0, 0], sizes = [128, 128], strides = [1, 1]} : vector<256x128xf32> to vector<128x128xf32>
    %dot_general3A = arith.constant dense<0.000000e+00> : vector<1000x128xf32>
    %dot_general3A_17 = tpu.matmul %get3A_16, %slice3A, %dot_general3A {dimension_numbers = #tpu.dot_dimension_numbers<[1], [0], [0], [1], [0, 0, 1, 1], [], []>, transpose_lhs_hint = false} : vector<1000x128xf32>, vector<128x128xf32>, vector<1000x128xf32> -> vector<1000x128xf32>
    %slice3A_18 = vector.extract_strided_slice %get3A_13 {offsets = [128, 0], sizes = [128, 128], strides = [1, 1]} : vector<256x128xf32> to vector<128x128xf32>
    %dot_general3A_19 = arith.constant dense<0.000000e+00> : vector<1000x128xf32>
    %dot_general3A_20 = tpu.matmul %div3A_10, %slice3A_18, %dot_general3A_19 {dimension_numbers = #tpu.dot_dimension_numbers<[1], [0], [0], [1], [0, 0, 1, 1], [], []>, transpose_lhs_hint = false} : vector<1000x128xf32>, vector<128x128xf32>, vector<1000x128xf32> -> vector<1000x128xf32>
    %add3A_21 = arith.addf %dot_general3A_17, %dot_general3A_20 : vector<1000x128xf32>
    %get3A_22 = arith.constant 0 : index
    %get3A_23 = arith.constant 0 : index
    %get3A_24 = vector.load %arg6[%get3A_22, %get3A_23] : memref<1x128xf32, #tpu.memory_space<vmem>>, vector<1x128xf32>
    %add3A_25 = vector.broadcast %get3A_24 : vector<1x128xf32> to vector<1000x128xf32>
    %add3A_26 = arith.addf %add3A_21, %add3A_25 : vector<1000x128xf32>
    %swap3A = arith.constant 0 : index
    %swap3A_27 = arith.constant 0 : index
    %swap3A_28 = vector.load %arg7[%swap3A, %swap3A_27] : memref<1000x128xf32, #tpu.memory_space<vmem>>, vector<1000x128xf32>
    tpu.vector_store %arg7[%swap3A, %swap3A_27], %add3A_26 {strides = array<i32>} : memref<1000x128xf32, #tpu.memory_space<vmem>>, vector<1000x128xf32>,
    return
  }
  func.func @transform_0(%arg0: i32) -> (i32, i32) {
    %c0_i32 = arith.constant 0 : i32
    %c0_i32_0 = arith.constant 0 : i32
    return %arg0, %c0_i32 : i32, i32
  }
  func.func @transform_1(%arg0: i32) -> (i32, i32) {
    %c0_i32 = arith.constant 0 : i32
    %c0_i32_0 = arith.constant 0 : i32
    return %arg0, %c0_i32 : i32, i32
  }
  func.func @transform_2(%arg0: i32) -> (i32, i32) {
    %c0_i32 = arith.constant 0 : i32
    %c0_i32_0 = arith.constant 0 : i32
    return %arg0, %c0_i32 : i32, i32
  }
  func.func @transform_3(%arg0: i32) -> (i32, i32) {
    %c0_i32 = arith.constant 0 : i32
    %c0_i32_0 = arith.constant 0 : i32
    return %arg0, %c0_i32 : i32, i32
  }
  func.func @transform_4(%arg0: i32) -> (i32, i32) {
    %c0_i32 = arith.constant 0 : i32
    %c0_i32_0 = arith.constant 0 : i32
    %c0_i32_1 = arith.constant 0 : i32
    return %c0_i32, %c0_i32_0 : i32, i32
  }
  func.func @transform_5(%arg0: i32) -> (i32, i32) {
    %c0_i32 = arith.constant 0 : i32
    %c0_i32_0 = arith.constant 0 : i32
    %c0_i32_1 = arith.constant 0 : i32
    return %c0_i32, %c0_i32_0 : i32, i32
  }
  func.func @transform_6(%arg0: i32) -> (i32, i32) {
    %c0_i32 = arith.constant 0 : i32
    %c0_i32_0 = arith.constant 0 : i32
    return %arg0, %c0_i32 : i32, i32
  }
}

</mosaic_0001>

<sc_bundles>
// kernel: kernel.5.cloned.1.call-start
scs
__scs_entry_jumppad:
0x0: {  	(pc) =	sbr.rel $0x88, $3  }
0x1: {  	(tag) =	ssettag $0x0;
	lr =	simm.s32 $0x1  }
0x2: {  	[smem:$0x3F9D] =	sst lr;
	_ =	strace $0xD0000000  }
0x3: {  	_ = 	snop  }
0x4: {  	_ = 	snop  }
0x5: {  	_ = 	snop  }
0x6: {  	_ = 	snop  }
0x7: {  	_ = 	snop  }
__scs_overlays_trampoline_lowered:
0x8: {  	[smem:$0x3FAC] =	sst s0  }
0x9: {  	[smem:$0x3FAD] =	sst s1  }
0xa: {  	[smem:$0x3FAE] =	sst s2  }
0xb: {  	[smem:$0x3FAF] =	sst s3  }
0xc: {  	[smem:$0x3FB0] =	sst s4  }
0xd: {  	[smem:$0x3FB1] =	sst s5  }
0xe: {  	[smem:$0x3FB2] =	sst s6  }
0xf: {  	[smem:$0x3FB3] =	sst s7  }
0x10: {  	[smem:$0x3FB4] =	sst s8  }
0x11: {  	[smem:$0x3FB5] =	sst s9;
	s0 =	simm.s32 @!p0 $0x0  }
0x12: {  	s1 =	sld [smem:$0x3F9B];
	s0 =	simm.s32 @p0 $0x1  }
0x13: {  	[smem:$0x3FB6] =	sst s0;
	s0 =	simm.s32 @!p1 $0x0  }
0x14: {  	s2 =	sld [smem:$0x3F9A];
	s0 =	simm.s32 @p1 $0x1  }
0x15: {  	[smem:$0x3FB7] =	sst s0;
	s0 =	simm.s32 @!p2 $0x0  }
0x16: {  	s3 =	sld [smem:$0x3FDB];
	s0 =	simm.s32 @p2 $0x1  }
0x17: {  	s4 =	simm.s32 $0x1BF5;
	[smem:$0x3FB9] =	sst s0  }
0x18: {  	s0 =	sld [smem:$0x3F9C];
	_ =	swait.ge [sflag:s4], $0x0  }
0x19: {  	s7 =	sld [smem:$0x3F9D]  }
0x1a: {  	s8 =	sadd.s32 $0xFFFFE003, lr  }
0x1b: {  	s9 =	sadd.s32 $0xFFFFFEF7, lr;
	s5 =	simm.s32 $0xFFFFFFFF;
	p2 =	slt.u32 s8, $0xFFFFF086  }
0x1c: {  	p1 =	slt.u32 s9, $0xF7A;
	s5 =	simm.s32 @!p2 $0x0  }
0x1d: {  	s5 =	simm.s32 @p1 $0x1;
	p0 =	seq.s32 s7, s2  }
0x1e: {  	s7 =	smul.u32 @!p0 $0xF7A, s2;
	p2 =	seq.s32 @!p0 s5, $0x0  }
0x1f: {  	s9 =	smul.u32 $0xF7A, s1;
	s8 =	simm.s32 @!p0 $0x1BF5;
	p2 =	por !p2, p0  }
0x20: {  	[sflag:s8] =	ssyncset.s32 @!p0 $0xFFFFF086;
	s6 =	sadd.s32 @!p0 s3, s7;
	s7 =	simm.s32 @!p0 $0x108  }
0x21: {  	s3 =	sadd.s32 s3, s9;
	s6 =	sadd.s32 @!p0 $0x88, s6;
	s7 =	simm.s32 @p2 $0x1082  }
0x22: {  	[simem:s7], [sflag:s8] =	dma.local @!p0 [hbm:s6], $0xF7A  }
0x23: {  	s9 =	sor.u32 $0xD0000000, s2;
	s6 =	simm.s32 $0x108;
	_ =	swait.ge @!p0 [sflag:s8], $0x0  }
0x24: {  	s3 =	sadd.s32 $0x88, s3;
	s6 =	simm.s32 @!p1 $0x1082;
	[sflag:s4] =	ssyncset.s32 $0xFFFFF086  }
0x25: {  	[simem:s6], [sflag:s4] =	dma.local [hbm:s3], $0xF7A  }
0x26: {  	[smem:$0x3F9D] =	sst s1;
	(tag) =	ssettag s2;
	_ =	strace s9  }
0x27: {  	s1 =	sld [smem:$0x3FAD]  }
0x28: {  	s2 =	sld [smem:$0x3FAE]  }
0x29: {  	s4 =	sld [smem:$0x3FB0]  }
0x2a: {  	p0 =	seq.s32 s5, $0x0;
	s5 =	sld [smem:$0x3FB1]  }
0x2b: {  	s6 =	sld [smem:$0x3FB2]  }
0x2c: {  	s7 =	sld [smem:$0x3FB3]  }
0x2d: {  	s3 =	simm.s32 $0x108;
	s8 =	sld [smem:$0x3FB4]  }
0x2e: {  	s3 =	simm.s32 @!p0 $0x1082;
	s9 =	sld [smem:$0x3FB5]  }
0x2f: {  	lr =	sadd.s32 s0, s3;
	s0 =	sld [smem:$0x3FAC]  }
0x30: {  	s3 =	sld [smem:$0x3FAF]  }
0x31: {  	[smem:$0x3FB8] =	sst s10  }
0x32: {  	s10 =	sld [smem:$0x3FB6];
	_ =	sdelay $0x3  }
0x33: {  	p0 =	seq.s32 s10, $0x1;
	s10 =	sld [smem:$0x3FB8];
	_ =	sdelay $0x3  }
0x34: {  	[smem:$0x3FB8] =	sst s10  }
0x35: {  	s10 =	sld [smem:$0x3FB7];
	_ =	sdelay $0x3  }
0x36: {  	p1 =	seq.s32 s10, $0x1;
	s10 =	sld [smem:$0x3FB8];
	_ =	sdelay $0x3  }
0x37: {  	[smem:$0x3FB8] =	sst s10  }
0x38: {  	s10 =	sld [smem:$0x3FB9]  }
0x39: {  	_ = 	snop;
	(pc) =	sbr.ind lr, $3  }
0x3a: {  	_ = 	snop  }
0x3b: {  	_ = 	snop  }
0x3c: {  	p2 =	seq.s32 s10, $0x1;
	s10 =	sld [smem:$0x3FB8]  }
0x3d: {  	_ =	shalt  }
0x3e: {  	_ =	shalt  }
0x3f: {  	_ =	shalt  }
0x40: {  	_ =	shalt  }
0x41: {  	_ =	shalt  }
0x42: {  	_ =	shalt  }
0x43: {  	_ =	shalt  }
0x44: {  	_ =	shalt  }
0x45: {  	_ =	shalt  }
0x46: {  	_ =	shalt  }
0x47: {  	_ =	shalt  }
0x48: {  	_ =	shalt  }
0x49: {  	_ =	shalt  }
0x4a: {  	_ =	shalt  }
0x4b: {  	_ =	shalt  }
0x4c: {  	_ =	shalt  }
0x4d: {  	_ =	shalt  }
0x4e: {  	_ =	shalt  }
0x4f: {  	_ =	shalt  }
0x50: {  	_ =	shalt  }
0x51: {  	_ =	shalt  }
0x52: {  	_ =	shalt  }
0x53: {  	_ =	shalt  }
0x54: {  	_ =	shalt  }
0x55: {  	_ =	shalt  }
0x56: {  	_ =	shalt  }
0x57: {  	_ =	shalt  }
0x58: {  	_ =	shalt  }
0x59: {  	_ =	shalt  }
0x5a: {  	_ =	shalt  }
0x5b: {  	_ =	shalt  }
0x5c: {  	_ =	shalt  }
0x5d: {  	_ =	shalt  }
0x5e: {  	_ =	shalt  }
0x5f: {  	_ =	shalt  }
0x60: {  	_ =	shalt  }
0x61: {  	_ =	shalt  }
0x62: {  	_ =	shalt  }
0x63: {  	_ =	shalt  }
0x64: {  	_ =	shalt  }
0x65: {  	_ =	shalt  }
0x66: {  	_ =	shalt  }
0x67: {  	_ =	shalt  }
0x68: {  	_ =	shalt  }
0x69: {  	_ =	shalt  }
0x6a: {  	_ =	shalt  }
0x6b: {  	_ =	shalt  }
0x6c: {  	_ =	shalt  }
0x6d: {  	_ =	shalt  }
0x6e: {  	_ =	shalt  }
0x6f: {  	_ =	shalt  }
0x70: {  	_ =	shalt  }
0x71: {  	_ =	shalt  }
0x72: {  	_ =	shalt  }
0x73: {  	_ =	shalt  }
0x74: {  	_ =	shalt  }
0x75: {  	_ =	shalt  }
0x76: {  	_ =	shalt  }
0x77: {  	_ =	shalt  }
0x78: {  	_ =	shalt  }
0x79: {  	_ =	shalt  }
0x7a: {  	_ =	shalt  }
0x7b: {  	_ =	shalt  }
0x7c: {  	_ =	shalt  }
0x7d: {  	_ =	shalt  }
0x7e: {  	_ =	shalt  }
0x7f: {  	_ =	shalt  }
0x80: {  	_ =	shalt  }
0x81: {  	_ =	shalt  }
0x82: {  	_ =	shalt  }
0x83: {  	_ =	shalt  }
0x84: {  	_ =	shalt  }
0x85: {  	_ =	shalt  }
0x86: {  	_ =	shalt  }
0x87: {  	_ =	shalt  }
.Lfunc_end0:
.L_simem_size_0:
called_computation_lowered:
.L_overlay_start_0:
0x88: {  	s2 =	sld [smem:$0x3FD9]  }
0x89: {  	s3 =	sld [smem:$0x3FFE];
	_ =	sdelay $0x1  }
0x8a: {  	s1 =	srdreg.scid  }
0x8b: {  	s0 =	sand.u32 $0x1, s1  }
0x8c: {  	s17 =	sshll.u32 s0, $0xA;
	s2 =	sadd.s32 s3, s2  }
0x8d: {  	s2 =	sadd.s32 s2, s17  }
0x8e: {  	[smem:$0x3FC4] =	sst s2  }
0x8f: {  	_ = 	snop  }
0x90: {  	s2 =	sld [smem:$0x3FC9]  }
0x91: {  	s18 =	sld [smem:$0x3FD0];
	(tm) =	ssettm $0x1  }
0x92: {  	s4 =	sld [smem:$0x3FFB];
	_ =	sdelay $0x3  }
0x93: {  	_ =	strace s4  }
0x94: {  	s4 =	sld [smem:$0x3FFC];
	_ =	sdelay $0x3  }
0x95: {  	_ =	strace s4  }
0x96: {  	s4 =	sld [smem:$0x3FFD];
	_ =	sdelay $0x3  }
0x97: {  	_ =	strace s4  }
0x98: {  	_ =	strace $0x8FFFFFFF  }
0x99: {  	s19 =	sld [smem:$0x3FDB];
	_ =	sdelay $0x1  }
0x9a: {  	s5 =	simm.s32 $_scs_section_size  }
0x9b: {  	s6 =	simm.s32 $_size__tile_overlayer_lowered;
	s7 =	simm.s32 $_tile_overlayer_lowered  }
0x9c: {  	s22 =	simm.s32 $0x1BFF;
	s21 =	sshll.u32 s7, $0x1;
	s4 =	sadd.s32 s5, s19  }
0x9d: {  	s8 =	simm.s32 $0x0;
	s20 =	sshll.u32 s6, $0x1;
	s6 =	sadd.s32 s21, s4  }
0x9e: {  	[timem:s8], [sflag:s22] =	dma.local [hbm:s6], s20  }
0x9f: {  	_ =	swait.ge [sflag:s22], s20  }
0xa0: {  	s5 =	ssub.s32 $0x0, s20;
	[sflag:s22] =	ssyncset.done $0x0  }
0xa1: {  	[sflag:s22] =	ssyncadd.s32 s5;
	_ =	sdelay $0x1  }
0xa2: {  	s23 =	simm.s32 $0x1B8B  }
0xa3: {  	_ =	swait.ge [sflag:s23], $0x1  }
0xa4: {  	[sflag:s23] =	ssyncset.done $0x0  }
0xa5: {  	s25 =	simm.s32 $0x1B8E;
	s24 =	sld [smem:$0x3FFE];
	[sflag:s23] =	ssyncadd.s32 $0xFFFFFFFF  }
0xa6: {  	s26 =	simm.s32 $execute0_lowered;
	[smem:$0x3FD2] =	sst s25  }
0xa7: {  	s6 =	sshll.u32 s26, $0x1;
	_ =	strace $0x80000046;
	[dreg:$0x1] =	wrdreg $0xFFFFFFFF  }
0xa8: {  	s28 =	simm.s32 $_size_execute0_lowered;
	s4 =	sadd.s32 s4, s6;
	[dreg:$0x0] =	wrdreg $0x0  }
0xa9: {  	s6 =	sshll.u32 s28, $0x1;
	[dreg:$0x2] =	wrdreg s4  }
0xaa: {  	[dreg:$0x3] =	wrdreg s6  }
0xab: {  	[dreg:$0x4] =	wrdreg $0xC0  }
0xac: {  	_ =	task [dreg:s8], $0x5FFFF  }
0xad: {  	[dreg:$0x1] =	wrdreg $0xFFFFFFFF  }
0xae: {  	[dreg:$0x0] =	wrdreg $0x60  }
0xaf: {  	[dreg:$0x2] =	wrdreg s2  }
0xb0: {  	[dreg:$0x3] =	wrdreg s24  }
0xb1: {  	[dreg:$0x4] =	wrdreg s18  }
0xb2: {  	[dreg:$0x5] =	wrdreg $0x52000  }
0xb3: {  	[dreg:$0x6] =	wrdreg $0x9  }
0xb4: {  	_ =	task.clear_ibuf [dreg:s8], $0x7FFFF;
	_ =	strace $0x90000046  }
0xb5: {  	s29 =	simm.s32 $0x9;
	_ =	strace $0x80000048  }
0xb6: {  	_ =	swait.ge [sflag:s29], $0x1  }
0xb7: {  	[sflag:s29] =	ssyncadd.s32 $0xFFFFFFFF  }
0xb8: {  	_ =	strace $0x90000048  }
0xb9: {  	_ =	sfence  }
0xba: {  	s30 =	sld [smem:$0x0];
	_ =	sdelay $0x2  }
0xbb: {  	s31 =	sshll.u32 s1, $0xD;
	s1 =	sshrl.u32 s1, $0x2  }
0xbc: {  	s3 =	sand.u32 $0x4000, s31;
	s1 =	sadd.s32 s1, s30  }
0xbd: {  	s0 =	sor.u32 s3, s0;
	s1 =	sshll.u32 s1, $0x11  }
0xbe: {  	s0 =	sor.u32 s1, s0  }
0xbf: {  	s0 =	sadd.s32 $0x8F2B, s0  }
0xc0: {  	[sflag:s0] =	ssyncadd.remote.s32 $0x1  }
0xc1: {  	_ =	sfence.sel $0xFFFF  }
0xc2: {  	[dreg:$0x0] =	wrdreg $0xFFFFFFFF;
	(pc) =	sbr.abs _section_cstart, $3  }
0xc3: {  	[dreg:$0x1] =	wrdreg $0xFFFFFFFF  }
0xc4: {  	_ =	task.clear_ibuf [dreg:s8], $0x2FFFF;
	_ =	strace $0x9FFFFFFF  }
0xc5: {  	(tm) =	ssettm $0x7FFFFFFF  }
tec
execute0_lowered:
.L_overlay_start_1:
0x0: {  	(tag) =	ssettag $0x1  }
0x1: {  	s1 =	rddreg [dreg:$0x0]  }
0x2: {  	s0 =	rddreg [dreg:$0x1]  }
0x3: {  	s3 =	rddreg [dreg:$0x2]  }
0x4: {  	s4 =	rddreg [dreg:$0x3];
	s12 =	stileid.u32  }
0x5: {  	s2 =	srdreg.scid;
	s5 =	simm.s32 $0x0;
	s28 =	simm.s32 $0x180  }
0x6: {  	s29 =	simm.s32 $0x2;
	s30 =	simm.s32 $0x2A00;
	s7 =	smul.u32 $0x2780, s12  }
0x7: {  	s31 =	simm.s32 $0x3;
	s2 =	sand.u32 $0x1, s2;
	s10 =	smul.u32 $0x4F000, s12  }
0x8: {  	[smem:$0x7FF] =	sst s5;
	s6 =	sadd.s32 $0xA00, s0;
	s16 =	smul.u32 $0x4E20, s12  }
0x9: {  	s11 =	sshll.u32 s12, $0x1;
	s17 =	sshll.u32 s12, $0x6;
	s8 =	smul.u32 $0x27800, s2  }
0xa: {  	_ =	strace $0x80000047;
	s25 =	ssub.s32 $0x2, s2;
	s11 =	sor.u32 s2, s11  }
0xb: {  	s2 =	smul.u32 $0x2710, s2;
	s9 =	sadd.s32 s7, s0;
	s26 =	sshrl.u32 s25, $0x1  }
0xc: {  	s13 =	sshrl.u32 s10, $0x2;
	s14 =	smul.u32 $0x2710, s11;
	s7 =	sadd.s32 s7, s8  }
0xd: {  	s20 =	sadd.s32 s13, s4;
	s15 =	sadd.s32 $0xA800, s9;
	s8 =	sor.u32 $0x1C05, s17  }
0xe: {  	s2 =	sadd.s32 s2, s16;
	s0 =	sadd.s32 s7, s0;
	s7 =	ssub.s32 s25, s26  }
0xf: {  	[dreg:$0x5] =	wrdreg s15;
	s10 =	sshrl.u32 s14, $0x3;
	s25 =	sadd.s32 $0xF0, s2  }
0x10: {  	s20 =	sshrl.u32 s20, $0x3;
	s18 =	sadd.s32 s6, s10;
	s19 =	sadd.s32 $0xA, s10  }
0x11: {  	s21 =	sadd.s32 s3, s10;
	s24 =	sadd.s32 $0x4D8, s10;
	s26 =	sshrl.u32 s25, $0x3  }
0x12: {  	s15 =	sadd.s32 $0x32000, s0;
	s16 =	smax.u32 s7, $0x1;
	[dreg:$0x6] =	wrdreg s18  }
0x13: {  	s25 =	simm.s32 $0x200;
	s0 =	simm.s32 $0x4;
	[dreg:$0x7] =	wrdreg s21  }
0x14: {  	s22 =	sadd.s32 s6, s19;
	s23 =	sadd.s32 s3, s19;
	s13 =	sadd.s32 s6, s24  }
0x15: {  	s14 =	sadd.s32 s3, s24;
	s17 =	sadd.s32 s26, s3;
	s18 =	sadd.s32 s26, s6  }
0x16: {  	s19 =	sadd.s32 $0xA0, s2;
	s21 =	simm.s32 $0x5;
	s24 =	simm.s32 $0x50  }
0x17: {  	s26 =	simm.s32 $0x80;
	s2 =	simm.s32 $0x0;
	[dreg:$0x8] =	wrdreg s22  }
0x18: {  	[dreg:$0x9] =	wrdreg s23;
	s22 =	simm.s32 $0x100;
	s23 =	simm.s32 $0x1  }
.LBB2_1:
0x19: {  	s7 =	rddreg [dreg:$0x5]  }
0x1a: {  	[spmem:s20], [sflag:s8] =	dma.local [hbm:s7], $0x2780  }
0x1b: {  	_ =	swait.ge [sflag:s21], $0x2780  }
0x1c: {  	[sflag:s21] =	ssyncset.done $0x0  }
0x1d: {  	[sflag:s21] =	ssyncadd.s32 $0xFFFFD880  }
0x1e: {  	[bflag:$0x0] =	sbarrier.arrive $0xFFFF  }
0x1f: {  	s11 =	rddreg [dreg:$0x6]  }
0x20: {  	[tilespmem:s5], [sflag:$0x1] =	stream.linear.gather [hbm4b:s11+s5], $0x50, $0x38;
	[tilespmem:$0x18E00] =	vst v63  }
0x21: {  	s12 =	rddreg [dreg:$0x7]  }
0x22: {  	[tilespmem:s22], [sflag:$0x1] =	stream.linear.gather [hbm4b:s12+s5], $0x50, $0x38;
	[tilespmem:$0x18E00] =	vst v63  }
0x23: {  	_ =	swait.ge [sflag:s23], $0x50  }
0x24: {  	[sflag:s23] =	ssyncset.done $0x0  }
0x25: {  	[sflag:s23] =	ssyncadd.s32 $0xFFFFFFB0  }
0x26: {  	_ =	swait.ge [sflag:s23], $0x50  }
0x27: {  	[sflag:s23] =	ssyncset.done $0x0  }
0x28: {  	[sflag:s23] =	ssyncadd.s32 $0xFFFFFFB0  }
0x29: {  	[tilespmem:s25], [sflag:$0x3] =	stream.indirect.gather [hbm4b:s1+s24], $0x80, s5, s24, $0xb8;
	[tilespmem:$0x18E00] =	vst v63  }
0x2a: {  	s9 =	rddreg [dreg:$0x8]  }
0x2b: {  	[tilespmem:s26], [sflag:$0x2] =	stream.linear.gather [hbm4b:s9+s5], $0x50, $0x38;
	[tilespmem:$0x18E00] =	vst v63  }
0x2c: {  	s10 =	rddreg [dreg:$0x9]  }
0x2d: {  	[tilespmem:s28], [sflag:$0x2] =	stream.linear.gather [hbm4b:s10+s5], $0x50, $0x38;
	[tilespmem:$0x18E00] =	vst v63  }
0x2e: {  	_ =	swait.ge [sflag:s29], $0x50  }
0x2f: {  	[sflag:s29] =	ssyncset.done $0x0  }
0x30: {  	[sflag:s29] =	ssyncadd.s32 $0xFFFFFFB0  }
0x31: {  	_ =	swait.ge [sflag:s29], $0x50  }
0x32: {  	[sflag:s29] =	ssyncset.done $0x0  }
0x33: {  	[sflag:s29] =	ssyncadd.s32 $0xFFFFFFB0  }
0x34: {  	[tilespmem:s30], [sflag:$0x4] =	stream.indirect.gather [hbm4b:s1+s24], $0x80, s26, s24, $0xb8;
	[tilespmem:$0x18E00] =	vst v63  }
0x35: {  	_ =	swait.ge [sflag:s31], $0x2800  }
0x36: {  	[sflag:s31] =	ssyncset.done $0x0  }
0x37: {  	[sflag:s31] =	ssyncadd.s32 $0xFFFFD800  }
0x38: {  	[spmem:s4] =	stream.indirect.scatter.add.f32 [tilespmem:s25], [sflag:$0x5], $0x80, s22, s24, $0xb8;
	[tilespmem:$0x18E00] =	vst v63  }
0x39: {  	_ =	swait.ge [sflag:s21], $0x2800  }
0x3a: {  	s11 =	sshrl.u32 s19, $0x3;
	[sflag:s21] =	ssyncset.done $0x0  }
0x3b: {  	s9 =	sadd.s32 s6, s11;
	[sflag:s21] =	ssyncadd.s32 $0xFFFFD800  }
0x3c: {  	[tilespmem:s5], [sflag:$0x1] =	stream.linear.gather [hbm4b:s9+s5], $0x50, $0x38;
	[tilespmem:$0x18E00] =	vst v63  }
0x3d: {  	s7 =	sadd.s32 s3, s11  }
0x3e: {  	[tilespmem:s22], [sflag:$0x1] =	stream.linear.gather [hbm4b:s7+s5], $0x50, $0x38;
	[tilespmem:$0x18E00] =	vst v63  }
0x3f: {  	_ =	swait.ge [sflag:s23], $0x50  }
0x40: {  	[sflag:s23] =	ssyncset.done $0x0  }
0x41: {  	[sflag:s23] =	ssyncadd.s32 $0xFFFFFFB0  }
0x42: {  	_ =	swait.ge [sflag:s23], $0x50  }
0x43: {  	[sflag:s23] =	ssyncset.done $0x0  }
0x44: {  	[sflag:s23] =	ssyncadd.s32 $0xFFFFFFB0  }
0x45: {  	[tilespmem:s25], [sflag:$0x3] =	stream.indirect.gather [hbm4b:s1+s24], $0x80, s5, s24, $0xb8;
	[tilespmem:$0x18E00] =	vst v63  }
0x46: {  	_ =	swait.ge [sflag:s0], $0x2800  }
0x47: {  	[sflag:s0] =	ssyncset.done $0x0  }
0x48: {  	[sflag:s0] =	ssyncadd.s32 $0xFFFFD800  }
0x49: {  	[spmem:s4] =	stream.indirect.scatter.add.f32 [tilespmem:s30], [sflag:$0x5], $0x80, s28, s24, $0xb8;
	[tilespmem:$0x18E00] =	vst v63  }
0x4a: {  	_ =	swait.ge [sflag:s21], $0x2800  }
0x4b: {  	s12 =	sadd.s32 $0x0, s18;
	s10 =	sadd.s32 $0x0, s17;
	[sflag:s21] =	ssyncset.done $0x0  }
0x4c: {  	s9 =	sadd.s32 $0xA0, s19;
	s7 =	simm.s32 $0x14;
	[sflag:s21] =	ssyncadd.s32 $0xFFFFD800  }
0x4d: {  	[tilespmem:s26], [sflag:$0x2] =	stream.linear.gather [hbm4b:s12+s5], $0x50, $0x38;
	[tilespmem:$0x18E00] =	vst v63  }
.LBB2_2:
0x4e: {  	[tilespmem:s28], [sflag:$0x2] =	stream.linear.gather [hbm4b:s10+s5], $0x50, $0x38;
	[tilespmem:$0x18E00] =	vst v63  }
0x4f: {  	s10 =	smov.u32 s7  }
0x50: {  	p0 =	sne.s32 s7, $0x4B0;
	s7 =	sadd.s32 $0x14, s7;
	_ =	swait.ge [sflag:s29], $0x50  }
0x51: {  	[sflag:s29] =	ssyncset.done $0x0  }
0x52: {  	[sflag:s29] =	ssyncadd.s32 $0xFFFFFFB0  }
0x53: {  	_ =	swait.ge [sflag:s29], $0x50  }
0x54: {  	[sflag:s29] =	ssyncset.done $0x0  }
0x55: {  	[sflag:s29] =	ssyncadd.s32 $0xFFFFFFB0  }
0x56: {  	[tilespmem:s30], [sflag:$0x4] =	stream.indirect.gather [hbm4b:s1+s24], $0x80, s26, s24, $0xb8;
	[tilespmem:$0x18E00] =	vst v63  }
0x57: {  	_ =	swait.ge [sflag:s31], $0x2800  }
0x58: {  	[sflag:s31] =	ssyncset.done $0x0  }
0x59: {  	[sflag:s31] =	ssyncadd.s32 $0xFFFFD800  }
0x5a: {  	[spmem:s4] =	stream.indirect.scatter.add.f32 [tilespmem:s25], [sflag:$0x5], $0x80, s22, s24, $0xb8;
	[tilespmem:$0x18E00] =	vst v63  }
0x5b: {  	_ =	swait.ge [sflag:s21], $0x2800  }
0x5c: {  	s11 =	sshrl.u32 s9, $0x3;
	[sflag:s21] =	ssyncset.done $0x0  }
0x5d: {  	s12 =	sadd.s32 s6, s11;
	[sflag:s21] =	ssyncadd.s32 $0xFFFFD800  }
0x5e: {  	[tilespmem:s5], [sflag:$0x1] =	stream.linear.gather [hbm4b:s12+s5], $0x50, $0x38;
	[tilespmem:$0x18E00] =	vst v63  }
0x5f: {  	s11 =	sadd.s32 s3, s11  }
0x60: {  	[tilespmem:s22], [sflag:$0x1] =	stream.linear.gather [hbm4b:s11+s5], $0x50, $0x38;
	[tilespmem:$0x18E00] =	vst v63  }
0x61: {  	_ =	swait.ge [sflag:s23], $0x50  }
0x62: {  	[sflag:s23] =	ssyncset.done $0x0  }
0x63: {  	[sflag:s23] =	ssyncadd.s32 $0xFFFFFFB0  }
0x64: {  	_ =	swait.ge [sflag:s23], $0x50  }
0x65: {  	[sflag:s23] =	ssyncset.done $0x0  }
0x66: {  	[sflag:s23] =	ssyncadd.s32 $0xFFFFFFB0  }
0x67: {  	[tilespmem:s25], [sflag:$0x3] =	stream.indirect.gather [hbm4b:s1+s24], $0x80, s5, s24, $0xb8;
	[tilespmem:$0x18E00] =	vst v63  }
0x68: {  	_ =	swait.ge [sflag:s0], $0x2800  }
0x69: {  	[sflag:s0] =	ssyncset.done $0x0  }
0x6a: {  	[sflag:s0] =	ssyncadd.s32 $0xFFFFD800  }
0x6b: {  	[spmem:s4] =	stream.indirect.scatter.add.f32 [tilespmem:s30], [sflag:$0x5], $0x80, s28, s24, $0xb8;
	[tilespmem:$0x18E00] =	vst v63  }
.Ltmp0:
0x6c: {  	_ =	swait.ge [sflag:s21], $0x2800;
	(pc) =	sbr.rel @p0 .LBB2_2-.Ltmp0, $4  }
0x6d: {  	[sflag:s21] =	ssyncset.done $0x0  }
0x6e: {  	s11 =	sadd.s32 s10, s18;
	[sflag:s21] =	ssyncadd.s32 $0xFFFFD800  }
0x6f: {  	[tilespmem:s26], [sflag:$0x2] =	stream.linear.gather [hbm4b:s11+s5], $0x50, $0x38;
	[tilespmem:$0x18E00] =	vst v63  }
0x70: {  	s9 =	sadd.s32 $0xA0, s9;
	s10 =	sadd.s32 s10, s17  }
0x71: {  	[tilespmem:s28], [sflag:$0x2] =	stream.linear.gather [hbm4b:s10+s5], $0x50, $0x38;
	[tilespmem:$0x18E00] =	vst v63  }
0x72: {  	_ =	swait.ge [sflag:s29], $0x50  }
0x73: {  	[sflag:s29] =	ssyncset.done $0x0  }
0x74: {  	[sflag:s29] =	ssyncadd.s32 $0xFFFFFFB0  }
0x75: {  	_ =	swait.ge [sflag:s29], $0x50  }
0x76: {  	[sflag:s29] =	ssyncset.done $0x0  }
0x77: {  	[sflag:s29] =	ssyncadd.s32 $0xFFFFFFB0  }
0x78: {  	[tilespmem:s30], [sflag:$0x4] =	stream.indirect.gather [hbm4b:s1+s24], $0x80, s26, s24, $0xb8;
	[tilespmem:$0x18E00] =	vst v63  }
0x79: {  	_ =	swait.ge [sflag:s31], $0x2800  }
0x7a: {  	[sflag:s31] =	ssyncset.done $0x0  }
0x7b: {  	[sflag:s31] =	ssyncadd.s32 $0xFFFFD800  }
0x7c: {  	[spmem:s4] =	stream.indirect.scatter.add.f32 [tilespmem:s25], [sflag:$0x5], $0x80, s22, s24, $0xb8;
	[tilespmem:$0x18E00] =	vst v63  }
0x7d: {  	_ =	swait.ge [sflag:s21], $0x2800  }
0x7e: {  	[sflag:s21] =	ssyncset.done $0x0  }
0x7f: {  	[sflag:s21] =	ssyncadd.s32 $0xFFFFD800  }
0x80: {  	[tilespmem:s5], [sflag:$0x1] =	stream.linear.gather [hbm4b:s13+s5], $0x50, $0x38;
	[tilespmem:$0x18E00] =	vst v63  }
0x81: {  	_ = 	snop  }
0x82: {  	[tilespmem:s22], [sflag:$0x1] =	stream.linear.gather [hbm4b:s14+s5], $0x50, $0x38;
	[tilespmem:$0x18E00] =	vst v63  }
0x83: {  	_ =	swait.ge [sflag:s23], $0x50  }
0x84: {  	[sflag:s23] =	ssyncset.done $0x0  }
0x85: {  	[sflag:s23] =	ssyncadd.s32 $0xFFFFFFB0  }
0x86: {  	_ =	swait.ge [sflag:s23], $0x50  }
0x87: {  	[sflag:s23] =	ssyncset.done $0x0  }
0x88: {  	[sflag:s23] =	ssyncadd.s32 $0xFFFFFFB0  }
0x89: {  	[tilespmem:s25], [sflag:$0x3] =	stream.indirect.gather [hbm4b:s1+s24], $0x80, s5, s24, $0xb8;
	[tilespmem:$0x18E00] =	vst v63  }
0x8a: {  	_ =	swait.ge [sflag:s0], $0x2800  }
0x8b: {  	[sflag:s0] =	ssyncset.done $0x0  }
0x8c: {  	[sflag:s0] =	ssyncadd.s32 $0xFFFFD800  }
0x8d: {  	[spmem:s4] =	stream.indirect.scatter.add.f32 [tilespmem:s30], [sflag:$0x5], $0x80, s28, s24, $0xb8;
	[tilespmem:$0x18E00] =	vst v63  }
0x8e: {  	_ =	swait.ge [sflag:s21], $0x2800  }
0x8f: {  	[sflag:s21] =	ssyncset.done $0x0  }
0x90: {  	[sflag:s21] =	ssyncadd.s32 $0xFFFFD800  }
0x91: {  	_ =	swait.ge [sflag:s31], $0x2800  }
0x92: {  	[sflag:s31] =	ssyncset.done $0x0  }
0x93: {  	[sflag:s31] =	ssyncadd.s32 $0xFFFFD800  }
0x94: {  	[spmem:s4] =	stream.indirect.scatter.add.f32 [tilespmem:s25], [sflag:$0x5], $0x80, s22, s24, $0xb8;
	[tilespmem:$0x18E00] =	vst v63  }
0x95: {  	_ =	swait.ge [sflag:s21], $0x2800  }
0x96: {  	s2 =	sadd.s32 $0x1, s2;
	[sflag:s21] =	ssyncset.done $0x0  }
0x97: {  	p0 =	sne.s32 s2, s16;
	[sflag:s21] =	ssyncadd.s32 $0xFFFFD800  }
.Ltmp1:
0x98: {  	[bflag:$0x0] =	sbarrier.arrive $0xFFFF;
	(pc) =	sbr.rel @p0 .LBB2_1-.Ltmp1, $4  }
0x99: {  	[hbm:s15], [sflag:s8] =	dma.local [spmem:s20], $0x2780  }
0x9a: {  	_ =	swait.ge [sflag:s21], $0x2780  }
0x9b: {  	[sflag:s21] =	ssyncset.done $0x0  }
0x9c: {  	[sflag:s21] =	ssyncadd.s32 $0xFFFFD880  }
0x9d: {  	_ =	sfence.sel $0x180000  }
0x9e: {  	[bflag:$0x0] =	sbarrier.arrive $0xFFFF  }
0x9f: {  	_ =	strace $0x90000047  }
0xa0: {  	s0 =	stileid.u32;
	[bflag:$0x2] =	sbarrier.arrive $0xFFFF  }
0xa1: {  	p0 =	sne.s32 s0, $0x0;
	s0 =	rddreg [dreg:$0x4]  }
0xa2: {  	s0 =	sadd.s32 @!p0 $0x100000, s0  }
0xa3: {  	[sflag:s0] =	ssyncadd.tile.s32 @!p0 $0x1;
	_ =	shalt  }
.Lfunc_end2:
_tile_overlayer_lowered:
.L_overlay_start_2:
0xa4: {  	(tag) =	ssettag $0x2  }
0xa5: {  	s0 =	rddreg [dreg:$0x0];
	s2 =	stileid.u32  }
0xa6: {  	s1 =	rddreg [dreg:$0x1];
	p0 =	sne.s32 s2, $0x0  }
0xa7: {  	s3 =	rddreg [dreg:$0x2];
	[bflag:$0x3] =	sbarrier.arrive $0xFFFF;
	s2 =	simm.s32 @!p0 $0x1C05  }
0xa8: {  	[timem:s3], [sflag:s2] =	dma.local @!p0 [hbm:s0], s1  }
0xa9: {  	s0 =	simm.s32 @!p0 $0x5  }
0xaa: {  	_ =	swait.ge @!p0 [sflag:s0], s1  }
0xab: {  	s1 =	ssub.s32 @!p0 $0x0, s1;
	[sflag:s0] =	ssyncset.done @!p0 $0x0  }
0xac: {  	[sflag:s0] =	ssyncadd.s32 @!p0 s1  }
0xad: {  	[bflag:$0x3] =	sbarrier.arrive $0xFFFF  }
0xae: {  	_ =	shalt  }

</sc_bundles>
